<compile_context>
chip_gen: v7x
topology: tpu7x:2x2x1
jax: 0.10.2.dev20260603
libtpu: 0.0.44.dev20260713+nightly
codegen_flags: <defaults>
</compile_context>

<pallas_src>
import functools

import jax
import jax.numpy as jnp
from jax import lax
from jax.experimental import pallas as pl
from jax.experimental.pallas import tpu as pltpu
from jax.experimental.pallas import tpu_sc as plsc

_D = 64
_B = 4096 * 200
_NC = 2
_NS = 16
_NW = _NC * _NS
_CH = 128
_ROWS_PER_W = _B // _NW
_NCH = _ROWS_PER_W // _CH
_K = 4
_NG = _NCH // _K


def _make_emb():
    mesh = plsc.VectorSubcoreMesh(core_axis_name="c", subcore_axis_name="s")

    @functools.partial(
        pl.kernel,
        mesh=mesh,
        out_type=jax.ShapeDtypeStruct((_B, _D), jnp.float32),
        scratch_types=[
            pltpu.VMEM((_NCH, _CH), jnp.int32),
            pltpu.VMEM((2, _K, _CH, _D), jnp.float32),
            pltpu.SemaphoreType.DMA,
            pltpu.SemaphoreType.DMA,
        ],
        compiler_params=pltpu.CompilerParams(use_tc_tiling_on_sc=False),
    )
    def emb(idx_hbm, table_hbm, out_hbm, idx_v, rows_v, gsem, osem):
        wid = lax.axis_index("s") * _NC + lax.axis_index("c")
        pltpu.sync_copy(idx_hbm.at[pl.ds(wid * _NCH, _NCH)], idx_v)
        base = wid * _ROWS_PER_W

        def fire_g(s, g):
            for b in range(_K):
                pltpu.async_copy(table_hbm.at[idx_v.at[g * _K + b]],
                                 rows_v.at[s, b], gsem)

        def drain_g(s):
            for b in range(_K):
                pltpu.make_async_copy(table_hbm.at[idx_v.at[0]],
                                      rows_v.at[s, b], gsem).wait()

        def fire_o(s, g):
            for b in range(_K):
                pltpu.async_copy(rows_v.at[s, b],
                                 out_hbm.at[pl.ds(base + (g * _K + b) * _CH, _CH)],
                                 osem)

        def drain_o(s):
            for b in range(_K):
                pltpu.make_async_copy(rows_v.at[s, b],
                                      out_hbm.at[pl.ds(base, _CH)], osem).wait()

        fire_g(0, 0)
        fire_g(1, 1)
        drain_g(0)
        fire_o(0, 0)
        drain_g(1)
        fire_o(1, 1)

        def body(p, carry):
            for s in range(2):
                g = 2 * p + s
                drain_o(s)
                fire_g(s, g)
                drain_g(s)
                fire_o(s, g)
            return carry

        lax.fori_loop(1, _NG // 2, body, 0)
        drain_o(0)
        drain_o(1)

    return emb


_emb = _make_emb()


def kernel(x, table):
    idx = x.reshape(_B // _CH, _CH)
    out = _emb(idx, table)
    return out.reshape(x.shape[0], x.shape[1], _D)

# --- scband reference (transcript-rebuilt; emitter-appended) ---
"""Pipeline reference for scband-token-embedder-11690900979869 (READ-ONLY COPY).

The authoritative reference and input builder live on the scoring server;
editing this copy changes nothing except your own understanding.
"""

import jax, jax.numpy as jnp
import numpy as np

VOCAB = 1000000
D_EMB = 64
BATCH = 4096
SEQ = 200

def setup_inputs(seed: int = 0) -> dict:
    key = jax.random.key(seed)
    k_idx, k_tab = jax.random.split(key)
    x = jax.random.randint(k_idx, (BATCH, SEQ), 0, VOCAB, dtype=jnp.int64 if jax.config.jax_enable_x64 else jnp.int32)
    table = jax.random.normal(k_tab, (VOCAB, D_EMB), dtype=jnp.float32)
    # padding_idx=0: embedding row 0 is zero in nn.Embedding
    table = table.at[0].set(0.0)
    return {"x": x, "table": table}

def reference(x, table):
    # nn.Embedding lookup: gather rows of the table
    return jnp.take(table, x, axis=0)

if __name__ == "__main__":
    import jax
    _d = setup_inputs()
    print(jax.jit(kernel)(*tuple(_d.values())))

</pallas_src>

<mosaic_0001>
#map = affine_map<(d0, d1) -> (0, 0)>
module attributes {stable_mosaic.version = 14 : i64} {
  func.func @emb(%arg0: i32, %arg1: i32, %arg2: memref<6400x128xi32, #tpu.memory_space<hbm>>, %arg3: memref<1000000x64xf32, #tpu.memory_space<hbm>>, %arg4: memref<819200x64xf32, #tpu.memory_space<hbm>>, %arg5: memref<200x128xi32, #tpu.memory_space<vmem>>, %arg6: memref<2x4x128x64xf32, #tpu.memory_space<vmem>>, %arg7: memref<!tpu.dma_semaphore, #tpu.memory_space<semaphore_mem>>, %arg8: memref<!tpu.dma_semaphore, #tpu.memory_space<semaphore_mem>>) attributes {dimension_semantics = [#tpu.dimension_semantics<core_parallel>, #tpu.dimension_semantics<subcore_parallel>], iteration_bounds = array<i64: 2, 16>, scalar_prefetch = 0 : i64, scratch_operands = 4 : i64, tpu.core_type = #tpu.core_type<sc_vector_subcore>, window_params = [{transform_indices = #map}, {transform_indices = #map}, {transform_indices = #map}]} {
    %mul3A = arith.constant 2 : i32
    %mul3A_0 = arith.muli %arg1, %mul3A : i32
    %add3A = arith.addi %mul3A_0, %arg0 : i32
    %mul3A_1 = arith.constant 200 : i32
    %mul3A_2 = arith.muli %add3A, %mul3A_1 : i32
    "tpu.region"() ({
      %run_scoped3A = tpu.sem_alloc : memref<!tpu.dma_semaphore, #tpu.memory_space<semaphore_mem>>
      %dma_start3A_456 = arith.constant 0 : i32
      %dma_start3A_457 = tpu.memref_slice %arg2[%mul3A_2, %dma_start3A_456] : memref<6400x128xi32, #tpu.memory_space<hbm>> -> memref<200x128xi32, #tpu.memory_space<hbm>>
      %dma_start3A_458 = arith.constant 0 : i32
      %dma_start3A_459 = tpu.memref_slice %arg2[%mul3A_2, %dma_start3A_458] : memref<6400x128xi32, #tpu.memory_space<hbm>> -> memref<200x128xi32, #tpu.memory_space<hbm>>
      tpu.enqueue_dma source(%dma_start3A_459 : memref<200x128xi32, #tpu.memory_space<hbm>>) target(%arg5 : memref<200x128xi32, #tpu.memory_space<vmem>>) target_semaphore(%run_scoped3A : memref<!tpu.dma_semaphore, #tpu.memory_space<semaphore_mem>>)
      %dma_wait3A_460 = arith.constant 0 : i32
      %dma_wait3A_461 = tpu.memref_slice %arg2[%mul3A_2, %dma_wait3A_460] : memref<6400x128xi32, #tpu.memory_space<hbm>> -> memref<200x128xi32, #tpu.memory_space<hbm>>
      %dma_wait3A_462 = arith.constant 0 : i32
      %dma_wait3A_463 = tpu.memref_slice %arg2[%mul3A_2, %dma_wait3A_462] : memref<6400x128xi32, #tpu.memory_space<hbm>> -> memref<200x128xi32, #tpu.memory_space<hbm>>
      tpu.wait_dma2 semaphore(%run_scoped3A : memref<!tpu.dma_semaphore, #tpu.memory_space<semaphore_mem>>) src(%dma_wait3A_463 : memref<200x128xi32, #tpu.memory_space<hbm>>) dst(%arg5 : memref<200x128xi32, #tpu.memory_space<vmem>>)
      tpu.yield
    }) : () -> ()
    %mul3A_3 = arith.constant 25600 : i32
    %mul3A_4 = arith.muli %add3A, %mul3A_3 : i32
    %dma_start3A = arith.constant 0 : i32
    %dma_start3A_5 = arith.constant 0 : i32
    %dma_start3A_6 = arith.constant 0 : i32
    %dma_start3A_7 = arith.constant 0 : i32
    %dma_start3A_8 = arith.constant 0 : i32
    %dma_start3A_9 = tpu.memref_slice %arg6[%dma_start3A_5, %dma_start3A_6, %dma_start3A_7, %dma_start3A_8] : memref<2x4x128x64xf32, #tpu.memory_space<vmem>> -> memref<1x1x128x64xf32, #tpu.memory_space<vmem>>
    %dma_start3A_10 = tpu.memref_squeeze %dma_start3A_9 : memref<1x1x128x64xf32, #tpu.memory_space<vmem>> -> memref<128x64xf32, #tpu.memory_space<vmem>>
    %dma_start3A_11 = arith.constant 0 : i32
    %dma_start3A_12 = tpu.memref_slice %arg5[%dma_start3A, %dma_start3A_11] : memref<200x128xi32, #tpu.memory_space<vmem>> -> memref<1x128xi32, #tpu.memory_space<vmem>>
    %dma_start3A_13 = tpu.memref_squeeze %dma_start3A_12 : memref<1x128xi32, #tpu.memory_space<vmem>> -> memref<128xi32, #tpu.memory_space<vmem>>
    %dma_start3A_14 = arith.constant 0 : i32
    %dma_start3A_15 = arith.constant 0 : i32
    %dma_start3A_16 = tpu.memref_slice %arg3[%dma_start3A_14, %dma_start3A_15] : memref<1000000x64xf32, #tpu.memory_space<hbm>> -> memref<1000000x64xf32, #tpu.memory_space<hbm>>
    tpu.enqueue_indirect_dma source(%dma_start3A_16 : memref<1000000x64xf32, #tpu.memory_space<hbm>>) target(%dma_start3A_10 : memref<128x64xf32, #tpu.memory_space<vmem>>) offsets(%dma_start3A_13 : memref<128xi32, #tpu.memory_space<vmem>>) semaphore(%arg7 : memref<!tpu.dma_semaphore, #tpu.memory_space<semaphore_mem>>)
    %dma_start3A_17 = arith.constant 1 : i32
    %dma_start3A_18 = arith.constant 0 : i32
    %dma_start3A_19 = arith.constant 1 : i32
    %dma_start3A_20 = arith.constant 0 : i32
    %dma_start3A_21 = arith.constant 0 : i32
    %dma_start3A_22 = tpu.memref_slice %arg6[%dma_start3A_18, %dma_start3A_19, %dma_start3A_20, %dma_start3A_21] : memref<2x4x128x64xf32, #tpu.memory_space<vmem>> -> memref<1x1x128x64xf32, #tpu.memory_space<vmem>>
    %dma_start3A_23 = tpu.memref_squeeze %dma_start3A_22 : memref<1x1x128x64xf32, #tpu.memory_space<vmem>> -> memref<128x64xf32, #tpu.memory_space<vmem>>
    %dma_start3A_24 = arith.constant 0 : i32
    %dma_start3A_25 = tpu.memref_slice %arg5[%dma_start3A_17, %dma_start3A_24] : memref<200x128xi32, #tpu.memory_space<vmem>> -> memref<1x128xi32, #tpu.memory_space<vmem>>
    %dma_start3A_26 = tpu.memref_squeeze %dma_start3A_25 : memref<1x128xi32, #tpu.memory_space<vmem>> -> memref<128xi32, #tpu.memory_space<vmem>>
    %dma_start3A_27 = arith.constant 0 : i32
    %dma_start3A_28 = arith.constant 0 : i32
    %dma_start3A_29 = tpu.memref_slice %arg3[%dma_start3A_27, %dma_start3A_28] : memref<1000000x64xf32, #tpu.memory_space<hbm>> -> memref<1000000x64xf32, #tpu.memory_space<hbm>>
    tpu.enqueue_indirect_dma source(%dma_start3A_29 : memref<1000000x64xf32, #tpu.memory_space<hbm>>) target(%dma_start3A_23 : memref<128x64xf32, #tpu.memory_space<vmem>>) offsets(%dma_start3A_26 : memref<128xi32, #tpu.memory_space<vmem>>) semaphore(%arg7 : memref<!tpu.dma_semaphore, #tpu.memory_space<semaphore_mem>>)
    %dma_start3A_30 = arith.constant 2 : i32
    %dma_start3A_31 = arith.constant 0 : i32
    %dma_start3A_32 = arith.constant 2 : i32
    %dma_start3A_33 = arith.constant 0 : i32
    %dma_start3A_34 = arith.constant 0 : i32
    %dma_start3A_35 = tpu.memref_slice %arg6[%dma_start3A_31, %dma_start3A_32, %dma_start3A_33, %dma_start3A_34] : memref<2x4x128x64xf32, #tpu.memory_space<vmem>> -> memref<1x1x128x64xf32, #tpu.memory_space<vmem>>
    %dma_start3A_36 = tpu.memref_squeeze %dma_start3A_35 : memref<1x1x128x64xf32, #tpu.memory_space<vmem>> -> memref<128x64xf32, #tpu.memory_space<vmem>>
    %dma_start3A_37 = arith.constant 0 : i32
    %dma_start3A_38 = tpu.memref_slice %arg5[%dma_start3A_30, %dma_start3A_37] : memref<200x128xi32, #tpu.memory_space<vmem>> -> memref<1x128xi32, #tpu.memory_space<vmem>>
    %dma_start3A_39 = tpu.memref_squeeze %dma_start3A_38 : memref<1x128xi32, #tpu.memory_space<vmem>> -> memref<128xi32, #tpu.memory_space<vmem>>
    %dma_start3A_40 = arith.constant 0 : i32
    %dma_start3A_41 = arith.constant 0 : i32
    %dma_start3A_42 = tpu.memref_slice %arg3[%dma_start3A_40, %dma_start3A_41] : memref<1000000x64xf32, #tpu.memory_space<hbm>> -> memref<1000000x64xf32, #tpu.memory_space<hbm>>
    tpu.enqueue_indirect_dma source(%dma_start3A_42 : memref<1000000x64xf32, #tpu.memory_space<hbm>>) target(%dma_start3A_36 : memref<128x64xf32, #tpu.memory_space<vmem>>) offsets(%dma_start3A_39 : memref<128xi32, #tpu.memory_space<vmem>>) semaphore(%arg7 : memref<!tpu.dma_semaphore, #tpu.memory_space<semaphore_mem>>)
    %dma_start3A_43 = arith.constant 3 : i32
    %dma_start3A_44 = arith.constant 0 : i32
    %dma_start3A_45 = arith.constant 3 : i32
    %dma_start3A_46 = arith.constant 0 : i32
    %dma_start3A_47 = arith.constant 0 : i32
    %dma_start3A_48 = tpu.memref_slice %arg6[%dma_start3A_44, %dma_start3A_45, %dma_start3A_46, %dma_start3A_47] : memref<2x4x128x64xf32, #tpu.memory_space<vmem>> -> memref<1x1x128x64xf32, #tpu.memory_space<vmem>>
    %dma_start3A_49 = tpu.memref_squeeze %dma_start3A_48 : memref<1x1x128x64xf32, #tpu.memory_space<vmem>> -> memref<128x64xf32, #tpu.memory_space<vmem>>
    %dma_start3A_50 = arith.constant 0 : i32
    %dma_start3A_51 = tpu.memref_slice %arg5[%dma_start3A_43, %dma_start3A_50] : memref<200x128xi32, #tpu.memory_space<vmem>> -> memref<1x128xi32, #tpu.memory_space<vmem>>
    %dma_start3A_52 = tpu.memref_squeeze %dma_start3A_51 : memref<1x128xi32, #tpu.memory_space<vmem>> -> memref<128xi32, #tpu.memory_space<vmem>>
    %dma_start3A_53 = arith.constant 0 : i32
    %dma_start3A_54 = arith.constant 0 : i32
    %dma_start3A_55 = tpu.memref_slice %arg3[%dma_start3A_53, %dma_start3A_54] : memref<1000000x64xf32, #tpu.memory_space<hbm>> -> memref<1000000x64xf32, #tpu.memory_space<hbm>>
    tpu.enqueue_indirect_dma source(%dma_start3A_55 : memref<1000000x64xf32, #tpu.memory_space<hbm>>) target(%dma_start3A_49 : memref<128x64xf32, #tpu.memory_space<vmem>>) offsets(%dma_start3A_52 : memref<128xi32, #tpu.memory_space<vmem>>) semaphore(%arg7 : memref<!tpu.dma_semaphore, #tpu.memory_space<semaphore_mem>>)
    %dma_start3A_56 = arith.constant 4 : i32
    %dma_start3A_57 = arith.constant 1 : i32
    %dma_start3A_58 = arith.constant 0 : i32
    %dma_start3A_59 = arith.constant 0 : i32
    %dma_start3A_60 = arith.constant 0 : i32
    %dma_start3A_61 = tpu.memref_slice %arg6[%dma_start3A_57, %dma_start3A_58, %dma_start3A_59, %dma_start3A_60] : memref<2x4x128x64xf32, #tpu.memory_space<vmem>> -> memref<1x1x128x64xf32, #tpu.memory_space<vmem>>
    %dma_start3A_62 = tpu.memref_squeeze %dma_start3A_61 : memref<1x1x128x64xf32, #tpu.memory_space<vmem>> -> memref<128x64xf32, #tpu.memory_space<vmem>>
    %dma_start3A_63 = arith.constant 0 : i32
    %dma_start3A_64 = tpu.memref_slice %arg5[%dma_start3A_56, %dma_start3A_63] : memref<200x128xi32, #tpu.memory_space<vmem>> -> memref<1x128xi32, #tpu.memory_space<vmem>>
    %dma_start3A_65 = tpu.memref_squeeze %dma_start3A_64 : memref<1x128xi32, #tpu.memory_space<vmem>> -> memref<128xi32, #tpu.memory_space<vmem>>
    %dma_start3A_66 = arith.constant 0 : i32
    %dma_start3A_67 = arith.constant 0 : i32
    %dma_start3A_68 = tpu.memref_slice %arg3[%dma_start3A_66, %dma_start3A_67] : memref<1000000x64xf32, #tpu.memory_space<hbm>> -> memref<1000000x64xf32, #tpu.memory_space<hbm>>
    tpu.enqueue_indirect_dma source(%dma_start3A_68 : memref<1000000x64xf32, #tpu.memory_space<hbm>>) target(%dma_start3A_62 : memref<128x64xf32, #tpu.memory_space<vmem>>) offsets(%dma_start3A_65 : memref<128xi32, #tpu.memory_space<vmem>>) semaphore(%arg7 : memref<!tpu.dma_semaphore, #tpu.memory_space<semaphore_mem>>)
    %dma_start3A_69 = arith.constant 5 : i32
    %dma_start3A_70 = arith.constant 1 : i32
    %dma_start3A_71 = arith.constant 1 : i32
    %dma_start3A_72 = arith.constant 0 : i32
    %dma_start3A_73 = arith.constant 0 : i32
    %dma_start3A_74 = tpu.memref_slice %arg6[%dma_start3A_70, %dma_start3A_71, %dma_start3A_72, %dma_start3A_73] : memref<2x4x128x64xf32, #tpu.memory_space<vmem>> -> memref<1x1x128x64xf32, #tpu.memory_space<vmem>>
    %dma_start3A_75 = tpu.memref_squeeze %dma_start3A_74 : memref<1x1x128x64xf32, #tpu.memory_space<vmem>> -> memref<128x64xf32, #tpu.memory_space<vmem>>
    %dma_start3A_76 = arith.constant 0 : i32
    %dma_start3A_77 = tpu.memref_slice %arg5[%dma_start3A_69, %dma_start3A_76] : memref<200x128xi32, #tpu.memory_space<vmem>> -> memref<1x128xi32, #tpu.memory_space<vmem>>
    %dma_start3A_78 = tpu.memref_squeeze %dma_start3A_77 : memref<1x128xi32, #tpu.memory_space<vmem>> -> memref<128xi32, #tpu.memory_space<vmem>>
    %dma_start3A_79 = arith.constant 0 : i32
    %dma_start3A_80 = arith.constant 0 : i32
    %dma_start3A_81 = tpu.memref_slice %arg3[%dma_start3A_79, %dma_start3A_80] : memref<1000000x64xf32, #tpu.memory_space<hbm>> -> memref<1000000x64xf32, #tpu.memory_space<hbm>>
    tpu.enqueue_indirect_dma source(%dma_start3A_81 : memref<1000000x64xf32, #tpu.memory_space<hbm>>) target(%dma_start3A_75 : memref<128x64xf32, #tpu.memory_space<vmem>>) offsets(%dma_start3A_78 : memref<128xi32, #tpu.memory_space<vmem>>) semaphore(%arg7 : memref<!tpu.dma_semaphore, #tpu.memory_space<semaphore_mem>>)
    %dma_start3A_82 = arith.constant 6 : i32
    %dma_start3A_83 = arith.constant 1 : i32
    %dma_start3A_84 = arith.constant 2 : i32
    %dma_start3A_85 = arith.constant 0 : i32
    %dma_start3A_86 = arith.constant 0 : i32
    %dma_start3A_87 = tpu.memref_slice %arg6[%dma_start3A_83, %dma_start3A_84, %dma_start3A_85, %dma_start3A_86] : memref<2x4x128x64xf32, #tpu.memory_space<vmem>> -> memref<1x1x128x64xf32, #tpu.memory_space<vmem>>
    %dma_start3A_88 = tpu.memref_squeeze %dma_start3A_87 : memref<1x1x128x64xf32, #tpu.memory_space<vmem>> -> memref<128x64xf32, #tpu.memory_space<vmem>>
    %dma_start3A_89 = arith.constant 0 : i32
    %dma_start3A_90 = tpu.memref_slice %arg5[%dma_start3A_82, %dma_start3A_89] : memref<200x128xi32, #tpu.memory_space<vmem>> -> memref<1x128xi32, #tpu.memory_space<vmem>>
    %dma_start3A_91 = tpu.memref_squeeze %dma_start3A_90 : memref<1x128xi32, #tpu.memory_space<vmem>> -> memref<128xi32, #tpu.memory_space<vmem>>
    %dma_start3A_92 = arith.constant 0 : i32
    %dma_start3A_93 = arith.constant 0 : i32
    %dma_start3A_94 = tpu.memref_slice %arg3[%dma_start3A_92, %dma_start3A_93] : memref<1000000x64xf32, #tpu.memory_space<hbm>> -> memref<1000000x64xf32, #tpu.memory_space<hbm>>
    tpu.enqueue_indirect_dma source(%dma_start3A_94 : memref<1000000x64xf32, #tpu.memory_space<hbm>>) target(%dma_start3A_88 : memref<128x64xf32, #tpu.memory_space<vmem>>) offsets(%dma_start3A_91 : memref<128xi32, #tpu.memory_space<vmem>>) semaphore(%arg7 : memref<!tpu.dma_semaphore, #tpu.memory_space<semaphore_mem>>)
    %dma_start3A_95 = arith.constant 7 : i32
    %dma_start3A_96 = arith.constant 1 : i32
    %dma_start3A_97 = arith.constant 3 : i32
    %dma_start3A_98 = arith.constant 0 : i32
    %dma_start3A_99 = arith.constant 0 : i32
    %dma_start3A_100 = tpu.memref_slice %arg6[%dma_start3A_96, %dma_start3A_97, %dma_start3A_98, %dma_start3A_99] : memref<2x4x128x64xf32, #tpu.memory_space<vmem>> -> memref<1x1x128x64xf32, #tpu.memory_space<vmem>>
    %dma_start3A_101 = tpu.memref_squeeze %dma_start3A_100 : memref<1x1x128x64xf32, #tpu.memory_space<vmem>> -> memref<128x64xf32, #tpu.memory_space<vmem>>
    %dma_start3A_102 = arith.constant 0 : i32
    %dma_start3A_103 = tpu.memref_slice %arg5[%dma_start3A_95, %dma_start3A_102] : memref<200x128xi32, #tpu.memory_space<vmem>> -> memref<1x128xi32, #tpu.memory_space<vmem>>
    %dma_start3A_104 = tpu.memref_squeeze %dma_start3A_103 : memref<1x128xi32, #tpu.memory_space<vmem>> -> memref<128xi32, #tpu.memory_space<vmem>>
    %dma_start3A_105 = arith.constant 0 : i32
    %dma_start3A_106 = arith.constant 0 : i32
    %dma_start3A_107 = tpu.memref_slice %arg3[%dma_start3A_105, %dma_start3A_106] : memref<1000000x64xf32, #tpu.memory_space<hbm>> -> memref<1000000x64xf32, #tpu.memory_space<hbm>>
    tpu.enqueue_indirect_dma source(%dma_start3A_107 : memref<1000000x64xf32, #tpu.memory_space<hbm>>) target(%dma_start3A_101 : memref<128x64xf32, #tpu.memory_space<vmem>>) offsets(%dma_start3A_104 : memref<128xi32, #tpu.memory_space<vmem>>) semaphore(%arg7 : memref<!tpu.dma_semaphore, #tpu.memory_space<semaphore_mem>>)
    %dma_wait3A = arith.constant 0 : i32
    %dma_wait3A_108 = arith.constant 0 : i32
    %dma_wait3A_109 = arith.constant 0 : i32
    %dma_wait3A_110 = arith.constant 0 : i32
    %dma_wait3A_111 = arith.constant 0 : i32
    %dma_wait3A_112 = tpu.memref_slice %arg6[%dma_wait3A_108, %dma_wait3A_109, %dma_wait3A_110, %dma_wait3A_111] : memref<2x4x128x64xf32, #tpu.memory_space<vmem>> -> memref<1x1x128x64xf32, #tpu.memory_space<vmem>>
    %dma_wait3A_113 = tpu.memref_squeeze %dma_wait3A_112 : memref<1x1x128x64xf32, #tpu.memory_space<vmem>> -> memref<128x64xf32, #tpu.memory_space<vmem>>
    %dma_wait3A_114 = arith.constant 0 : i32
    %dma_wait3A_115 = tpu.memref_slice %arg5[%dma_wait3A, %dma_wait3A_114] : memref<200x128xi32, #tpu.memory_space<vmem>> -> memref<1x128xi32, #tpu.memory_space<vmem>>
    %dma_wait3A_116 = tpu.memref_squeeze %dma_wait3A_115 : memref<1x128xi32, #tpu.memory_space<vmem>> -> memref<128xi32, #tpu.memory_space<vmem>>
    %dma_wait3A_117 = arith.constant 0 : i32
    %dma_wait3A_118 = arith.constant 0 : i32
    %dma_wait3A_119 = tpu.memref_slice %arg3[%dma_wait3A_117, %dma_wait3A_118] : memref<1000000x64xf32, #tpu.memory_space<hbm>> -> memref<1000000x64xf32, #tpu.memory_space<hbm>>
    tpu.wait_indirect_dma semaphore(%arg7 : memref<!tpu.dma_semaphore, #tpu.memory_space<semaphore_mem>>) src(%dma_wait3A_119 : memref<1000000x64xf32, #tpu.memory_space<hbm>>) dst(%dma_wait3A_113 : memref<128x64xf32, #tpu.memory_space<vmem>>)
    %dma_wait3A_120 = arith.constant 0 : i32
    %dma_wait3A_121 = arith.constant 0 : i32
    %dma_wait3A_122 = arith.constant 1 : i32
    %dma_wait3A_123 = arith.constant 0 : i32
    %dma_wait3A_124 = arith.constant 0 : i32
    %dma_wait3A_125 = tpu.memref_slice %arg6[%dma_wait3A_121, %dma_wait3A_122, %dma_wait3A_123, %dma_wait3A_124] : memref<2x4x128x64xf32, #tpu.memory_space<vmem>> -> memref<1x1x128x64xf32, #tpu.memory_space<vmem>>
    %dma_wait3A_126 = tpu.memref_squeeze %dma_wait3A_125 : memref<1x1x128x64xf32, #tpu.memory_space<vmem>> -> memref<128x64xf32, #tpu.memory_space<vmem>>
    %dma_wait3A_127 = arith.constant 0 : i32
    %dma_wait3A_128 = tpu.memref_slice %arg5[%dma_wait3A_120, %dma_wait3A_127] : memref<200x128xi32, #tpu.memory_space<vmem>> -> memref<1x128xi32, #tpu.memory_space<vmem>>
    %dma_wait3A_129 = tpu.memref_squeeze %dma_wait3A_128 : memref<1x128xi32, #tpu.memory_space<vmem>> -> memref<128xi32, #tpu.memory_space<vmem>>
    %dma_wait3A_130 = arith.constant 0 : i32
    %dma_wait3A_131 = arith.constant 0 : i32
    %dma_wait3A_132 = tpu.memref_slice %arg3[%dma_wait3A_130, %dma_wait3A_131] : memref<1000000x64xf32, #tpu.memory_space<hbm>> -> memref<1000000x64xf32, #tpu.memory_space<hbm>>
    tpu.wait_indirect_dma semaphore(%arg7 : memref<!tpu.dma_semaphore, #tpu.memory_space<semaphore_mem>>) src(%dma_wait3A_132 : memref<1000000x64xf32, #tpu.memory_space<hbm>>) dst(%dma_wait3A_126 : memref<128x64xf32, #tpu.memory_space<vmem>>)
    %dma_wait3A_133 = arith.constant 0 : i32
    %dma_wait3A_134 = arith.constant 0 : i32
    %dma_wait3A_135 = arith.constant 2 : i32
    %dma_wait3A_136 = arith.constant 0 : i32
    %dma_wait3A_137 = arith.constant 0 : i32
    %dma_wait3A_138 = tpu.memref_slice %arg6[%dma_wait3A_134, %dma_wait3A_135, %dma_wait3A_136, %dma_wait3A_137] : memref<2x4x128x64xf32, #tpu.memory_space<vmem>> -> memref<1x1x128x64xf32, #tpu.memory_space<vmem>>
    %dma_wait3A_139 = tpu.memref_squeeze %dma_wait3A_138 : memref<1x1x128x64xf32, #tpu.memory_space<vmem>> -> memref<128x64xf32, #tpu.memory_space<vmem>>
    %dma_wait3A_140 = arith.constant 0 : i32
    %dma_wait3A_141 = tpu.memref_slice %arg5[%dma_wait3A_133, %dma_wait3A_140] : memref<200x128xi32, #tpu.memory_space<vmem>> -> memref<1x128xi32, #tpu.memory_space<vmem>>
    %dma_wait3A_142 = tpu.memref_squeeze %dma_wait3A_141 : memref<1x128xi32, #tpu.memory_space<vmem>> -> memref<128xi32, #tpu.memory_space<vmem>>
    %dma_wait3A_143 = arith.constant 0 : i32
    %dma_wait3A_144 = arith.constant 0 : i32
    %dma_wait3A_145 = tpu.memref_slice %arg3[%dma_wait3A_143, %dma_wait3A_144] : memref<1000000x64xf32, #tpu.memory_space<hbm>> -> memref<1000000x64xf32, #tpu.memory_space<hbm>>
    tpu.wait_indirect_dma semaphore(%arg7 : memref<!tpu.dma_semaphore, #tpu.memory_space<semaphore_mem>>) src(%dma_wait3A_145 : memref<1000000x64xf32, #tpu.memory_space<hbm>>) dst(%dma_wait3A_139 : memref<128x64xf32, #tpu.memory_space<vmem>>)
    %dma_wait3A_146 = arith.constant 0 : i32
    %dma_wait3A_147 = arith.constant 0 : i32
    %dma_wait3A_148 = arith.constant 3 : i32
    %dma_wait3A_149 = arith.constant 0 : i32
    %dma_wait3A_150 = arith.constant 0 : i32
    %dma_wait3A_151 = tpu.memref_slice %arg6[%dma_wait3A_147, %dma_wait3A_148, %dma_wait3A_149, %dma_wait3A_150] : memref<2x4x128x64xf32, #tpu.memory_space<vmem>> -> memref<1x1x128x64xf32, #tpu.memory_space<vmem>>
    %dma_wait3A_152 = tpu.memref_squeeze %dma_wait3A_151 : memref<1x1x128x64xf32, #tpu.memory_space<vmem>> -> memref<128x64xf32, #tpu.memory_space<vmem>>
    %dma_wait3A_153 = arith.constant 0 : i32
    %dma_wait3A_154 = tpu.memref_slice %arg5[%dma_wait3A_146, %dma_wait3A_153] : memref<200x128xi32, #tpu.memory_space<vmem>> -> memref<1x128xi32, #tpu.memory_space<vmem>>
    %dma_wait3A_155 = tpu.memref_squeeze %dma_wait3A_154 : memref<1x128xi32, #tpu.memory_space<vmem>> -> memref<128xi32, #tpu.memory_space<vmem>>
    %dma_wait3A_156 = arith.constant 0 : i32
    %dma_wait3A_157 = arith.constant 0 : i32
    %dma_wait3A_158 = tpu.memref_slice %arg3[%dma_wait3A_156, %dma_wait3A_157] : memref<1000000x64xf32, #tpu.memory_space<hbm>> -> memref<1000000x64xf32, #tpu.memory_space<hbm>>
    tpu.wait_indirect_dma semaphore(%arg7 : memref<!tpu.dma_semaphore, #tpu.memory_space<semaphore_mem>>) src(%dma_wait3A_158 : memref<1000000x64xf32, #tpu.memory_space<hbm>>) dst(%dma_wait3A_152 : memref<128x64xf32, #tpu.memory_space<vmem>>)
    %add3A_159 = arith.constant 0 : i32
    %add3A_160 = arith.addi %mul3A_4, %add3A_159 : i32
    %dma_start3A_161 = arith.constant 0 : i32
    %dma_start3A_162 = arith.constant 0 : i32
    %dma_start3A_163 = arith.constant 0 : i32
    %dma_start3A_164 = arith.constant 0 : i32
    %dma_start3A_165 = tpu.memref_slice %arg6[%dma_start3A_161, %dma_start3A_162, %dma_start3A_163, %dma_start3A_164] : memref<2x4x128x64xf32, #tpu.memory_space<vmem>> -> memref<1x1x128x64xf32, #tpu.memory_space<vmem>>
    %dma_start3A_166 = tpu.memref_squeeze %dma_start3A_165 : memref<1x1x128x64xf32, #tpu.memory_space<vmem>> -> memref<128x64xf32, #tpu.memory_space<vmem>>
    %dma_start3A_167 = arith.constant 0 : i32
    %dma_start3A_168 = tpu.memref_slice %arg4[%add3A_160, %dma_start3A_167] : memref<819200x64xf32, #tpu.memory_space<hbm>> -> memref<128x64xf32, #tpu.memory_space<hbm>>
    %dma_start3A_169 = arith.constant 0 : i32
    %dma_start3A_170 = tpu.memref_slice %arg4[%add3A_160, %dma_start3A_169] : memref<819200x64xf32, #tpu.memory_space<hbm>> -> memref<128x64xf32, #tpu.memory_space<hbm>>
    %dma_start3A_171 = arith.constant 0 : i32
    %dma_start3A_172 = arith.constant 0 : i32
    %dma_start3A_173 = tpu.memref_slice %arg6[%dma_start3A_161, %dma_start3A_162, %dma_start3A_171, %dma_start3A_172] : memref<2x4x128x64xf32, #tpu.memory_space<vmem>> -> memref<1x1x128x64xf32, #tpu.memory_space<vmem>>
    %dma_start3A_174 = tpu.memref_squeeze %dma_start3A_173 : memref<1x1x128x64xf32, #tpu.memory_space<vmem>> -> memref<128x64xf32, #tpu.memory_space<vmem>>
    tpu.enqueue_dma source(%dma_start3A_174 : memref<128x64xf32, #tpu.memory_space<vmem>>) target(%dma_start3A_170 : memref<128x64xf32, #tpu.memory_space<hbm>>) target_semaphore(%arg8 : memref<!tpu.dma_semaphore, #tpu.memory_space<semaphore_mem>>)
    %add3A_175 = arith.constant 128 : i32
    %add3A_176 = arith.addi %mul3A_4, %add3A_175 : i32
    %dma_start3A_177 = arith.constant 0 : i32
    %dma_start3A_178 = arith.constant 1 : i32
    %dma_start3A_179 = arith.constant 0 : i32
    %dma_start3A_180 = arith.constant 0 : i32
    %dma_start3A_181 = tpu.memref_slice %arg6[%dma_start3A_177, %dma_start3A_178, %dma_start3A_179, %dma_start3A_180] : memref<2x4x128x64xf32, #tpu.memory_space<vmem>> -> memref<1x1x128x64xf32, #tpu.memory_space<vmem>>
    %dma_start3A_182 = tpu.memref_squeeze %dma_start3A_181 : memref<1x1x128x64xf32, #tpu.memory_space<vmem>> -> memref<128x64xf32, #tpu.memory_space<vmem>>
    %dma_start3A_183 = arith.constant 0 : i32
    %dma_start3A_184 = tpu.memref_slice %arg4[%add3A_176, %dma_start3A_183] : memref<819200x64xf32, #tpu.memory_space<hbm>> -> memref<128x64xf32, #tpu.memory_space<hbm>>
    %dma_start3A_185 = arith.constant 0 : i32
    %dma_start3A_186 = tpu.memref_slice %arg4[%add3A_176, %dma_start3A_185] : memref<819200x64xf32, #tpu.memory_space<hbm>> -> memref<128x64xf32, #tpu.memory_space<hbm>>
    %dma_start3A_187 = arith.constant 0 : i32
    %dma_start3A_188 = arith.constant 0 : i32
    %dma_start3A_189 = tpu.memref_slice %arg6[%dma_start3A_177, %dma_start3A_178, %dma_start3A_187, %dma_start3A_188] : memref<2x4x128x64xf32, #tpu.memory_space<vmem>> -> memref<1x1x128x64xf32, #tpu.memory_space<vmem>>
    %dma_start3A_190 = tpu.memref_squeeze %dma_start3A_189 : memref<1x1x128x64xf32, #tpu.memory_space<vmem>> -> memref<128x64xf32, #tpu.memory_space<vmem>>
    tpu.enqueue_dma source(%dma_start3A_190 : memref<128x64xf32, #tpu.memory_space<vmem>>) target(%dma_start3A_186 : memref<128x64xf32, #tpu.memory_space<hbm>>) target_semaphore(%arg8 : memref<!tpu.dma_semaphore, #tpu.memory_space<semaphore_mem>>)
    %add3A_191 = arith.constant 256 : i32
    %add3A_192 = arith.addi %mul3A_4, %add3A_191 : i32
    %dma_start3A_193 = arith.constant 0 : i32
    %dma_start3A_194 = arith.constant 2 : i32
    %dma_start3A_195 = arith.constant 0 : i32
    %dma_start3A_196 = arith.constant 0 : i32
    %dma_start3A_197 = tpu.memref_slice %arg6[%dma_start3A_193, %dma_start3A_194, %dma_start3A_195, %dma_start3A_196] : memref<2x4x128x64xf32, #tpu.memory_space<vmem>> -> memref<1x1x128x64xf32, #tpu.memory_space<vmem>>
    %dma_start3A_198 = tpu.memref_squeeze %dma_start3A_197 : memref<1x1x128x64xf32, #tpu.memory_space<vmem>> -> memref<128x64xf32, #tpu.memory_space<vmem>>
    %dma_start3A_199 = arith.constant 0 : i32
    %dma_start3A_200 = tpu.memref_slice %arg4[%add3A_192, %dma_start3A_199] : memref<819200x64xf32, #tpu.memory_space<hbm>> -> memref<128x64xf32, #tpu.memory_space<hbm>>
    %dma_start3A_201 = arith.constant 0 : i32
    %dma_start3A_202 = tpu.memref_slice %arg4[%add3A_192, %dma_start3A_201] : memref<819200x64xf32, #tpu.memory_space<hbm>> -> memref<128x64xf32, #tpu.memory_space<hbm>>
    %dma_start3A_203 = arith.constant 0 : i32
    %dma_start3A_204 = arith.constant 0 : i32
    %dma_start3A_205 = tpu.memref_slice %arg6[%dma_start3A_193, %dma_start3A_194, %dma_start3A_203, %dma_start3A_204] : memref<2x4x128x64xf32, #tpu.memory_space<vmem>> -> memref<1x1x128x64xf32, #tpu.memory_space<vmem>>
    %dma_start3A_206 = tpu.memref_squeeze %dma_start3A_205 : memref<1x1x128x64xf32, #tpu.memory_space<vmem>> -> memref<128x64xf32, #tpu.memory_space<vmem>>
    tpu.enqueue_dma source(%dma_start3A_206 : memref<128x64xf32, #tpu.memory_space<vmem>>) target(%dma_start3A_202 : memref<128x64xf32, #tpu.memory_space<hbm>>) target_semaphore(%arg8 : memref<!tpu.dma_semaphore, #tpu.memory_space<semaphore_mem>>)
    %add3A_207 = arith.constant 384 : i32
    %add3A_208 = arith.addi %mul3A_4, %add3A_207 : i32
    %dma_start3A_209 = arith.constant 0 : i32
    %dma_start3A_210 = arith.constant 3 : i32
    %dma_start3A_211 = arith.constant 0 : i32
    %dma_start3A_212 = arith.constant 0 : i32
    %dma_start3A_213 = tpu.memref_slice %arg6[%dma_start3A_209, %dma_start3A_210, %dma_start3A_211, %dma_start3A_212] : memref<2x4x128x64xf32, #tpu.memory_space<vmem>> -> memref<1x1x128x64xf32, #tpu.memory_space<vmem>>
    %dma_start3A_214 = tpu.memref_squeeze %dma_start3A_213 : memref<1x1x128x64xf32, #tpu.memory_space<vmem>> -> memref<128x64xf32, #tpu.memory_space<vmem>>
    %dma_start3A_215 = arith.constant 0 : i32
    %dma_start3A_216 = tpu.memref_slice %arg4[%add3A_208, %dma_start3A_215] : memref<819200x64xf32, #tpu.memory_space<hbm>> -> memref<128x64xf32, #tpu.memory_space<hbm>>
    %dma_start3A_217 = arith.constant 0 : i32
    %dma_start3A_218 = tpu.memref_slice %arg4[%add3A_208, %dma_start3A_217] : memref<819200x64xf32, #tpu.memory_space<hbm>> -> memref<128x64xf32, #tpu.memory_space<hbm>>
    %dma_start3A_219 = arith.constant 0 : i32
    %dma_start3A_220 = arith.constant 0 : i32
    %dma_start3A_221 = tpu.memref_slice %arg6[%dma_start3A_209, %dma_start3A_210, %dma_start3A_219, %dma_start3A_220] : memref<2x4x128x64xf32, #tpu.memory_space<vmem>> -> memref<1x1x128x64xf32, #tpu.memory_space<vmem>>
    %dma_start3A_222 = tpu.memref_squeeze %dma_start3A_221 : memref<1x1x128x64xf32, #tpu.memory_space<vmem>> -> memref<128x64xf32, #tpu.memory_space<vmem>>
    tpu.enqueue_dma source(%dma_start3A_222 : memref<128x64xf32, #tpu.memory_space<vmem>>) target(%dma_start3A_218 : memref<128x64xf32, #tpu.memory_space<hbm>>) target_semaphore(%arg8 : memref<!tpu.dma_semaphore, #tpu.memory_space<semaphore_mem>>)
    %dma_wait3A_223 = arith.constant 0 : i32
    %dma_wait3A_224 = arith.constant 1 : i32
    %dma_wait3A_225 = arith.constant 0 : i32
    %dma_wait3A_226 = arith.constant 0 : i32
    %dma_wait3A_227 = arith.constant 0 : i32
    %dma_wait3A_228 = tpu.memref_slice %arg6[%dma_wait3A_224, %dma_wait3A_225, %dma_wait3A_226, %dma_wait3A_227] : memref<2x4x128x64xf32, #tpu.memory_space<vmem>> -> memref<1x1x128x64xf32, #tpu.memory_space<vmem>>
    %dma_wait3A_229 = tpu.memref_squeeze %dma_wait3A_228 : memref<1x1x128x64xf32, #tpu.memory_space<vmem>> -> memref<128x64xf32, #tpu.memory_space<vmem>>
    %dma_wait3A_230 = arith.constant 0 : i32
    %dma_wait3A_231 = tpu.memref_slice %arg5[%dma_wait3A_223, %dma_wait3A_230] : memref<200x128xi32, #tpu.memory_space<vmem>> -> memref<1x128xi32, #tpu.memory_space<vmem>>
    %dma_wait3A_232 = tpu.memref_squeeze %dma_wait3A_231 : memref<1x128xi32, #tpu.memory_space<vmem>> -> memref<128xi32, #tpu.memory_space<vmem>>
    %dma_wait3A_233 = arith.constant 0 : i32
    %dma_wait3A_234 = arith.constant 0 : i32
    %dma_wait3A_235 = tpu.memref_slice %arg3[%dma_wait3A_233, %dma_wait3A_234] : memref<1000000x64xf32, #tpu.memory_space<hbm>> -> memref<1000000x64xf32, #tpu.memory_space<hbm>>
    tpu.wait_indirect_dma semaphore(%arg7 : memref<!tpu.dma_semaphore, #tpu.memory_space<semaphore_mem>>) src(%dma_wait3A_235 : memref<1000000x64xf32, #tpu.memory_space<hbm>>) dst(%dma_wait3A_229 : memref<128x64xf32, #tpu.memory_space<vmem>>)
    %dma_wait3A_236 = arith.constant 0 : i32
    %dma_wait3A_237 = arith.constant 1 : i32
    %dma_wait3A_238 = arith.constant 1 : i32
    %dma_wait3A_239 = arith.constant 0 : i32
    %dma_wait3A_240 = arith.constant 0 : i32
    %dma_wait3A_241 = tpu.memref_slice %arg6[%dma_wait3A_237, %dma_wait3A_238, %dma_wait3A_239, %dma_wait3A_240] : memref<2x4x128x64xf32, #tpu.memory_space<vmem>> -> memref<1x1x128x64xf32, #tpu.memory_space<vmem>>
    %dma_wait3A_242 = tpu.memref_squeeze %dma_wait3A_241 : memref<1x1x128x64xf32, #tpu.memory_space<vmem>> -> memref<128x64xf32, #tpu.memory_space<vmem>>
    %dma_wait3A_243 = arith.constant 0 : i32
    %dma_wait3A_244 = tpu.memref_slice %arg5[%dma_wait3A_236, %dma_wait3A_243] : memref<200x128xi32, #tpu.memory_space<vmem>> -> memref<1x128xi32, #tpu.memory_space<vmem>>
    %dma_wait3A_245 = tpu.memref_squeeze %dma_wait3A_244 : memref<1x128xi32, #tpu.memory_space<vmem>> -> memref<128xi32, #tpu.memory_space<vmem>>
    %dma_wait3A_246 = arith.constant 0 : i32
    %dma_wait3A_247 = arith.constant 0 : i32
    %dma_wait3A_248 = tpu.memref_slice %arg3[%dma_wait3A_246, %dma_wait3A_247] : memref<1000000x64xf32, #tpu.memory_space<hbm>> -> memref<1000000x64xf32, #tpu.memory_space<hbm>>
    tpu.wait_indirect_dma semaphore(%arg7 : memref<!tpu.dma_semaphore, #tpu.memory_space<semaphore_mem>>) src(%dma_wait3A_248 : memref<1000000x64xf32, #tpu.memory_space<hbm>>) dst(%dma_wait3A_242 : memref<128x64xf32, #tpu.memory_space<vmem>>)
    %dma_wait3A_249 = arith.constant 0 : i32
    %dma_wait3A_250 = arith.constant 1 : i32
    %dma_wait3A_251 = arith.constant 2 : i32
    %dma_wait3A_252 = arith.constant 0 : i32
    %dma_wait3A_253 = arith.constant 0 : i32
    %dma_wait3A_254 = tpu.memref_slice %arg6[%dma_wait3A_250, %dma_wait3A_251, %dma_wait3A_252, %dma_wait3A_253] : memref<2x4x128x64xf32, #tpu.memory_space<vmem>> -> memref<1x1x128x64xf32, #tpu.memory_space<vmem>>
    %dma_wait3A_255 = tpu.memref_squeeze %dma_wait3A_254 : memref<1x1x128x64xf32, #tpu.memory_space<vmem>> -> memref<128x64xf32, #tpu.memory_space<vmem>>
    %dma_wait3A_256 = arith.constant 0 : i32
    %dma_wait3A_257 = tpu.memref_slice %arg5[%dma_wait3A_249, %dma_wait3A_256] : memref<200x128xi32, #tpu.memory_space<vmem>> -> memref<1x128xi32, #tpu.memory_space<vmem>>
    %dma_wait3A_258 = tpu.memref_squeeze %dma_wait3A_257 : memref<1x128xi32, #tpu.memory_space<vmem>> -> memref<128xi32, #tpu.memory_space<vmem>>
    %dma_wait3A_259 = arith.constant 0 : i32
    %dma_wait3A_260 = arith.constant 0 : i32
    %dma_wait3A_261 = tpu.memref_slice %arg3[%dma_wait3A_259, %dma_wait3A_260] : memref<1000000x64xf32, #tpu.memory_space<hbm>> -> memref<1000000x64xf32, #tpu.memory_space<hbm>>
    tpu.wait_indirect_dma semaphore(%arg7 : memref<!tpu.dma_semaphore, #tpu.memory_space<semaphore_mem>>) src(%dma_wait3A_261 : memref<1000000x64xf32, #tpu.memory_space<hbm>>) dst(%dma_wait3A_255 : memref<128x64xf32, #tpu.memory_space<vmem>>)
    %dma_wait3A_262 = arith.constant 0 : i32
    %dma_wait3A_263 = arith.constant 1 : i32
    %dma_wait3A_264 = arith.constant 3 : i32
    %dma_wait3A_265 = arith.constant 0 : i32
    %dma_wait3A_266 = arith.constant 0 : i32
    %dma_wait3A_267 = tpu.memref_slice %arg6[%dma_wait3A_263, %dma_wait3A_264, %dma_wait3A_265, %dma_wait3A_266] : memref<2x4x128x64xf32, #tpu.memory_space<vmem>> -> memref<1x1x128x64xf32, #tpu.memory_space<vmem>>
    %dma_wait3A_268 = tpu.memref_squeeze %dma_wait3A_267 : memref<1x1x128x64xf32, #tpu.memory_space<vmem>> -> memref<128x64xf32, #tpu.memory_space<vmem>>
    %dma_wait3A_269 = arith.constant 0 : i32
    %dma_wait3A_270 = tpu.memref_slice %arg5[%dma_wait3A_262, %dma_wait3A_269] : memref<200x128xi32, #tpu.memory_space<vmem>> -> memref<1x128xi32, #tpu.memory_space<vmem>>
    %dma_wait3A_271 = tpu.memref_squeeze %dma_wait3A_270 : memref<1x128xi32, #tpu.memory_space<vmem>> -> memref<128xi32, #tpu.memory_space<vmem>>
    %dma_wait3A_272 = arith.constant 0 : i32
    %dma_wait3A_273 = arith.constant 0 : i32
    %dma_wait3A_274 = tpu.memref_slice %arg3[%dma_wait3A_272, %dma_wait3A_273] : memref<1000000x64xf32, #tpu.memory_space<hbm>> -> memref<1000000x64xf32, #tpu.memory_space<hbm>>
    tpu.wait_indirect_dma semaphore(%arg7 : memref<!tpu.dma_semaphore, #tpu.memory_space<semaphore_mem>>) src(%dma_wait3A_274 : memref<1000000x64xf32, #tpu.memory_space<hbm>>) dst(%dma_wait3A_268 : memref<128x64xf32, #tpu.memory_space<vmem>>)
    %add3A_275 = arith.constant 512 : i32
    %add3A_276 = arith.addi %mul3A_4, %add3A_275 : i32
    %dma_start3A_277 = arith.constant 1 : i32
    %dma_start3A_278 = arith.constant 0 : i32
    %dma_start3A_279 = arith.constant 0 : i32
    %dma_start3A_280 = arith.constant 0 : i32
    %dma_start3A_281 = tpu.memref_slice %arg6[%dma_start3A_277, %dma_start3A_278, %dma_start3A_279, %dma_start3A_280] : memref<2x4x128x64xf32, #tpu.memory_space<vmem>> -> memref<1x1x128x64xf32, #tpu.memory_space<vmem>>
    %dma_start3A_282 = tpu.memref_squeeze %dma_start3A_281 : memref<1x1x128x64xf32, #tpu.memory_space<vmem>> -> memref<128x64xf32, #tpu.memory_space<vmem>>
    %dma_start3A_283 = arith.constant 0 : i32
    %dma_start3A_284 = tpu.memref_slice %arg4[%add3A_276, %dma_start3A_283] : memref<819200x64xf32, #tpu.memory_space<hbm>> -> memref<128x64xf32, #tpu.memory_space<hbm>>
    %dma_start3A_285 = arith.constant 0 : i32
    %dma_start3A_286 = tpu.memref_slice %arg4[%add3A_276, %dma_start3A_285] : memref<819200x64xf32, #tpu.memory_space<hbm>> -> memref<128x64xf32, #tpu.memory_space<hbm>>
    %dma_start3A_287 = arith.constant 0 : i32
    %dma_start3A_288 = arith.constant 0 : i32
    %dma_start3A_289 = tpu.memref_slice %arg6[%dma_start3A_277, %dma_start3A_278, %dma_start3A_287, %dma_start3A_288] : memref<2x4x128x64xf32, #tpu.memory_space<vmem>> -> memref<1x1x128x64xf32, #tpu.memory_space<vmem>>
    %dma_start3A_290 = tpu.memref_squeeze %dma_start3A_289 : memref<1x1x128x64xf32, #tpu.memory_space<vmem>> -> memref<128x64xf32, #tpu.memory_space<vmem>>
    tpu.enqueue_dma source(%dma_start3A_290 : memref<128x64xf32, #tpu.memory_space<vmem>>) target(%dma_start3A_286 : memref<128x64xf32, #tpu.memory_space<hbm>>) target_semaphore(%arg8 : memref<!tpu.dma_semaphore, #tpu.memory_space<semaphore_mem>>)
    %add3A_291 = arith.constant 640 : i32
    %add3A_292 = arith.addi %mul3A_4, %add3A_291 : i32
    %dma_start3A_293 = arith.constant 1 : i32
    %dma_start3A_294 = arith.constant 1 : i32
    %dma_start3A_295 = arith.constant 0 : i32
    %dma_start3A_296 = arith.constant 0 : i32
    %dma_start3A_297 = tpu.memref_slice %arg6[%dma_start3A_293, %dma_start3A_294, %dma_start3A_295, %dma_start3A_296] : memref<2x4x128x64xf32, #tpu.memory_space<vmem>> -> memref<1x1x128x64xf32, #tpu.memory_space<vmem>>
    %dma_start3A_298 = tpu.memref_squeeze %dma_start3A_297 : memref<1x1x128x64xf32, #tpu.memory_space<vmem>> -> memref<128x64xf32, #tpu.memory_space<vmem>>
    %dma_start3A_299 = arith.constant 0 : i32
    %dma_start3A_300 = tpu.memref_slice %arg4[%add3A_292, %dma_start3A_299] : memref<819200x64xf32, #tpu.memory_space<hbm>> -> memref<128x64xf32, #tpu.memory_space<hbm>>
    %dma_start3A_301 = arith.constant 0 : i32
    %dma_start3A_302 = tpu.memref_slice %arg4[%add3A_292, %dma_start3A_301] : memref<819200x64xf32, #tpu.memory_space<hbm>> -> memref<128x64xf32, #tpu.memory_space<hbm>>
    %dma_start3A_303 = arith.constant 0 : i32
    %dma_start3A_304 = arith.constant 0 : i32
    %dma_start3A_305 = tpu.memref_slice %arg6[%dma_start3A_293, %dma_start3A_294, %dma_start3A_303, %dma_start3A_304] : memref<2x4x128x64xf32, #tpu.memory_space<vmem>> -> memref<1x1x128x64xf32, #tpu.memory_space<vmem>>
    %dma_start3A_306 = tpu.memref_squeeze %dma_start3A_305 : memref<1x1x128x64xf32, #tpu.memory_space<vmem>> -> memref<128x64xf32, #tpu.memory_space<vmem>>
    tpu.enqueue_dma source(%dma_start3A_306 : memref<128x64xf32, #tpu.memory_space<vmem>>) target(%dma_start3A_302 : memref<128x64xf32, #tpu.memory_space<hbm>>) target_semaphore(%arg8 : memref<!tpu.dma_semaphore, #tpu.memory_space<semaphore_mem>>)
    %add3A_307 = arith.constant 768 : i32
    %add3A_308 = arith.addi %mul3A_4, %add3A_307 : i32
    %dma_start3A_309 = arith.constant 1 : i32
    %dma_start3A_310 = arith.constant 2 : i32
    %dma_start3A_311 = arith.constant 0 : i32
    %dma_start3A_312 = arith.constant 0 : i32
    %dma_start3A_313 = tpu.memref_slice %arg6[%dma_start3A_309, %dma_start3A_310, %dma_start3A_311, %dma_start3A_312] : memref<2x4x128x64xf32, #tpu.memory_space<vmem>> -> memref<1x1x128x64xf32, #tpu.memory_space<vmem>>
    %dma_start3A_314 = tpu.memref_squeeze %dma_start3A_313 : memref<1x1x128x64xf32, #tpu.memory_space<vmem>> -> memref<128x64xf32, #tpu.memory_space<vmem>>
    %dma_start3A_315 = arith.constant 0 : i32
    %dma_start3A_316 = tpu.memref_slice %arg4[%add3A_308, %dma_start3A_315] : memref<819200x64xf32, #tpu.memory_space<hbm>> -> memref<128x64xf32, #tpu.memory_space<hbm>>
    %dma_start3A_317 = arith.constant 0 : i32
    %dma_start3A_318 = tpu.memref_slice %arg4[%add3A_308, %dma_start3A_317] : memref<819200x64xf32, #tpu.memory_space<hbm>> -> memref<128x64xf32, #tpu.memory_space<hbm>>
    %dma_start3A_319 = arith.constant 0 : i32
    %dma_start3A_320 = arith.constant 0 : i32
    %dma_start3A_321 = tpu.memref_slice %arg6[%dma_start3A_309, %dma_start3A_310, %dma_start3A_319, %dma_start3A_320] : memref<2x4x128x64xf32, #tpu.memory_space<vmem>> -> memref<1x1x128x64xf32, #tpu.memory_space<vmem>>
    %dma_start3A_322 = tpu.memref_squeeze %dma_start3A_321 : memref<1x1x128x64xf32, #tpu.memory_space<vmem>> -> memref<128x64xf32, #tpu.memory_space<vmem>>
    tpu.enqueue_dma source(%dma_start3A_322 : memref<128x64xf32, #tpu.memory_space<vmem>>) target(%dma_start3A_318 : memref<128x64xf32, #tpu.memory_space<hbm>>) target_semaphore(%arg8 : memref<!tpu.dma_semaphore, #tpu.memory_space<semaphore_mem>>)
    %add3A_323 = arith.constant 896 : i32
    %add3A_324 = arith.addi %mul3A_4, %add3A_323 : i32
    %dma_start3A_325 = arith.constant 1 : i32
    %dma_start3A_326 = arith.constant 3 : i32
    %dma_start3A_327 = arith.constant 0 : i32
    %dma_start3A_328 = arith.constant 0 : i32
    %dma_start3A_329 = tpu.memref_slice %arg6[%dma_start3A_325, %dma_start3A_326, %dma_start3A_327, %dma_start3A_328] : memref<2x4x128x64xf32, #tpu.memory_space<vmem>> -> memref<1x1x128x64xf32, #tpu.memory_space<vmem>>
    %dma_start3A_330 = tpu.memref_squeeze %dma_start3A_329 : memref<1x1x128x64xf32, #tpu.memory_space<vmem>> -> memref<128x64xf32, #tpu.memory_space<vmem>>
    %dma_start3A_331 = arith.constant 0 : i32
    %dma_start3A_332 = tpu.memref_slice %arg4[%add3A_324, %dma_start3A_331] : memref<819200x64xf32, #tpu.memory_space<hbm>> -> memref<128x64xf32, #tpu.memory_space<hbm>>
    %dma_start3A_333 = arith.constant 0 : i32
    %dma_start3A_334 = tpu.memref_slice %arg4[%add3A_324, %dma_start3A_333] : memref<819200x64xf32, #tpu.memory_space<hbm>> -> memref<128x64xf32, #tpu.memory_space<hbm>>
    %dma_start3A_335 = arith.constant 0 : i32
    %dma_start3A_336 = arith.constant 0 : i32
    %dma_start3A_337 = tpu.memref_slice %arg6[%dma_start3A_325, %dma_start3A_326, %dma_start3A_335, %dma_start3A_336] : memref<2x4x128x64xf32, #tpu.memory_space<vmem>> -> memref<1x1x128x64xf32, #tpu.memory_space<vmem>>
    %dma_start3A_338 = tpu.memref_squeeze %dma_start3A_337 : memref<1x1x128x64xf32, #tpu.memory_space<vmem>> -> memref<128x64xf32, #tpu.memory_space<vmem>>
    tpu.enqueue_dma source(%dma_start3A_338 : memref<128x64xf32, #tpu.memory_space<vmem>>) target(%dma_start3A_334 : memref<128x64xf32, #tpu.memory_space<hbm>>) target_semaphore(%arg8 : memref<!tpu.dma_semaphore, #tpu.memory_space<semaphore_mem>>)
    %scan3A = arith.constant 0 : i32
    %scan3A_339 = arith.constant 1 : i32
    %scan3A_340 = arith.constant 24 : i32
    %scan3A_341 = arith.addi %scan3A_339, %scan3A_340 : i32
    %scan3A_342 = arith.constant 1 : i32
    scf.for %scan3A_456 = %scan3A_339 to %scan3A_341 step %scan3A_342  : i32 {
      %mul3A_457 = arith.constant 2 : i32
      %mul3A_458 = arith.muli %mul3A_457, %scan3A_456 : i32
      %add3A_459 = arith.constant 0 : i32
      %add3A_460 = arith.addi %mul3A_458, %add3A_459 : i32
      %dma_wait3A_461 = arith.constant 0 : i32
      %dma_wait3A_462 = arith.constant 0 : i32
      %dma_wait3A_463 = arith.constant 0 : i32
      %dma_wait3A_464 = arith.constant 0 : i32
      %dma_wait3A_465 = tpu.memref_slice %arg6[%dma_wait3A_461, %dma_wait3A_462, %dma_wait3A_463, %dma_wait3A_464] : memref<2x4x128x64xf32, #tpu.memory_space<vmem>> -> memref<1x1x128x64xf32, #tpu.memory_space<vmem>>
      %dma_wait3A_466 = tpu.memref_squeeze %dma_wait3A_465 : memref<1x1x128x64xf32, #tpu.memory_space<vmem>> -> memref<128x64xf32, #tpu.memory_space<vmem>>
      %dma_wait3A_467 = arith.constant 0 : i32
      %dma_wait3A_468 = tpu.memref_slice %arg4[%mul3A_4, %dma_wait3A_467] : memref<819200x64xf32, #tpu.memory_space<hbm>> -> memref<128x64xf32, #tpu.memory_space<hbm>>
      %dma_wait3A_469 = arith.constant 0 : i32
      %dma_wait3A_470 = tpu.memref_slice %arg4[%mul3A_4, %dma_wait3A_469] : memref<819200x64xf32, #tpu.memory_space<hbm>> -> memref<128x64xf32, #tpu.memory_space<hbm>>
      %dma_wait3A_471 = arith.constant 0 : i32
      %dma_wait3A_472 = arith.constant 0 : i32
      %dma_wait3A_473 = tpu.memref_slice %arg6[%dma_wait3A_461, %dma_wait3A_462, %dma_wait3A_471, %dma_wait3A_472] : memref<2x4x128x64xf32, #tpu.memory_space<vmem>> -> memref<1x1x128x64xf32, #tpu.memory_space<vmem>>
      %dma_wait3A_474 = tpu.memref_squeeze %dma_wait3A_473 : memref<1x1x128x64xf32, #tpu.memory_space<vmem>> -> memref<128x64xf32, #tpu.memory_space<vmem>>
      tpu.wait_dma2 semaphore(%arg8 : memref<!tpu.dma_semaphore, #tpu.memory_space<semaphore_mem>>) src(%dma_wait3A_474 : memref<128x64xf32, #tpu.memory_space<vmem>>) dst(%dma_wait3A_470 : memref<128x64xf32, #tpu.memory_space<hbm>>)
      %dma_wait3A_475 = arith.constant 0 : i32
      %dma_wait3A_476 = arith.constant 1 : i32
      %dma_wait3A_477 = arith.constant 0 : i32
      %dma_wait3A_478 = arith.constant 0 : i32
      %dma_wait3A_479 = tpu.memref_slice %arg6[%dma_wait3A_475, %dma_wait3A_476, %dma_wait3A_477, %dma_wait3A_478] : memref<2x4x128x64xf32, #tpu.memory_space<vmem>> -> memref<1x1x128x64xf32, #tpu.memory_space<vmem>>
      %dma_wait3A_480 = tpu.memref_squeeze %dma_wait3A_479 : memref<1x1x128x64xf32, #tpu.memory_space<vmem>> -> memref<128x64xf32, #tpu.memory_space<vmem>>
      %dma_wait3A_481 = arith.constant 0 : i32
      %dma_wait3A_482 = tpu.memref_slice %arg4[%mul3A_4, %dma_wait3A_481] : memref<819200x64xf32, #tpu.memory_space<hbm>> -> memref<128x64xf32, #tpu.memory_space<hbm>>
      %dma_wait3A_483 = arith.constant 0 : i32
      %dma_wait3A_484 = tpu.memref_slice %arg4[%mul3A_4, %dma_wait3A_483] : memref<819200x64xf32, #tpu.memory_space<hbm>> -> memref<128x64xf32, #tpu.memory_space<hbm>>
      %dma_wait3A_485 = arith.constant 0 : i32
      %dma_wait3A_486 = arith.constant 0 : i32
      %dma_wait3A_487 = tpu.memref_slice %arg6[%dma_wait3A_475, %dma_wait3A_476, %dma_wait3A_485, %dma_wait3A_486] : memref<2x4x128x64xf32, #tpu.memory_space<vmem>> -> memref<1x1x128x64xf32, #tpu.memory_space<vmem>>
      %dma_wait3A_488 = tpu.memref_squeeze %dma_wait3A_487 : memref<1x1x128x64xf32, #tpu.memory_space<vmem>> -> memref<128x64xf32, #tpu.memory_space<vmem>>
      tpu.wait_dma2 semaphore(%arg8 : memref<!tpu.dma_semaphore, #tpu.memory_space<semaphore_mem>>) src(%dma_wait3A_488 : memref<128x64xf32, #tpu.memory_space<vmem>>) dst(%dma_wait3A_484 : memref<128x64xf32, #tpu.memory_space<hbm>>)
      %dma_wait3A_489 = arith.constant 0 : i32
      %dma_wait3A_490 = arith.constant 2 : i32
      %dma_wait3A_491 = arith.constant 0 : i32
      %dma_wait3A_492 = arith.constant 0 : i32
      %dma_wait3A_493 = tpu.memref_slice %arg6[%dma_wait3A_489, %dma_wait3A_490, %dma_wait3A_491, %dma_wait3A_492] : memref<2x4x128x64xf32, #tpu.memory_space<vmem>> -> memref<1x1x128x64xf32, #tpu.memory_space<vmem>>
      %dma_wait3A_494 = tpu.memref_squeeze %dma_wait3A_493 : memref<1x1x128x64xf32, #tpu.memory_space<vmem>> -> memref<128x64xf32, #tpu.memory_space<vmem>>
      %dma_wait3A_495 = arith.constant 0 : i32
      %dma_wait3A_496 = tpu.memref_slice %arg4[%mul3A_4, %dma_wait3A_495] : memref<819200x64xf32, #tpu.memory_space<hbm>> -> memref<128x64xf32, #tpu.memory_space<hbm>>
      %dma_wait3A_497 = arith.constant 0 : i32
      %dma_wait3A_498 = tpu.memref_slice %arg4[%mul3A_4, %dma_wait3A_497] : memref<819200x64xf32, #tpu.memory_space<hbm>> -> memref<128x64xf32, #tpu.memory_space<hbm>>
      %dma_wait3A_499 = arith.constant 0 : i32
      %dma_wait3A_500 = arith.constant 0 : i32
      %dma_wait3A_501 = tpu.memref_slice %arg6[%dma_wait3A_489, %dma_wait3A_490, %dma_wait3A_499, %dma_wait3A_500] : memref<2x4x128x64xf32, #tpu.memory_space<vmem>> -> memref<1x1x128x64xf32, #tpu.memory_space<vmem>>
      %dma_wait3A_502 = tpu.memref_squeeze %dma_wait3A_501 : memref<1x1x128x64xf32, #tpu.memory_space<vmem>> -> memref<128x64xf32, #tpu.memory_space<vmem>>
      tpu.wait_dma2 semaphore(%arg8 : memref<!tpu.dma_semaphore, #tpu.memory_space<semaphore_mem>>) src(%dma_wait3A_502 : memref<128x64xf32, #tpu.memory_space<vmem>>) dst(%dma_wait3A_498 : memref<128x64xf32, #tpu.memory_space<hbm>>)
      %dma_wait3A_503 = arith.constant 0 : i32
      %dma_wait3A_504 = arith.constant 3 : i32
      %dma_wait3A_505 = arith.constant 0 : i32
      %dma_wait3A_506 = arith.constant 0 : i32
      %dma_wait3A_507 = tpu.memref_slice %arg6[%dma_wait3A_503, %dma_wait3A_504, %dma_wait3A_505, %dma_wait3A_506] : memref<2x4x128x64xf32, #tpu.memory_space<vmem>> -> memref<1x1x128x64xf32, #tpu.memory_space<vmem>>
      %dma_wait3A_508 = tpu.memref_squeeze %dma_wait3A_507 : memref<1x1x128x64xf32, #tpu.memory_space<vmem>> -> memref<128x64xf32, #tpu.memory_space<vmem>>
      %dma_wait3A_509 = arith.constant 0 : i32
      %dma_wait3A_510 = tpu.memref_slice %arg4[%mul3A_4, %dma_wait3A_509] : memref<819200x64xf32, #tpu.memory_space<hbm>> -> memref<128x64xf32, #tpu.memory_space<hbm>>
      %dma_wait3A_511 = arith.constant 0 : i32
      %dma_wait3A_512 = tpu.memref_slice %arg4[%mul3A_4, %dma_wait3A_511] : memref<819200x64xf32, #tpu.memory_space<hbm>> -> memref<128x64xf32, #tpu.memory_space<hbm>>
      %dma_wait3A_513 = arith.constant 0 : i32
      %dma_wait3A_514 = arith.constant 0 : i32
      %dma_wait3A_515 = tpu.memref_slice %arg6[%dma_wait3A_503, %dma_wait3A_504, %dma_wait3A_513, %dma_wait3A_514] : memref<2x4x128x64xf32, #tpu.memory_space<vmem>> -> memref<1x1x128x64xf32, #tpu.memory_space<vmem>>
      %dma_wait3A_516 = tpu.memref_squeeze %dma_wait3A_515 : memref<1x1x128x64xf32, #tpu.memory_space<vmem>> -> memref<128x64xf32, #tpu.memory_space<vmem>>
      tpu.wait_dma2 semaphore(%arg8 : memref<!tpu.dma_semaphore, #tpu.memory_space<semaphore_mem>>) src(%dma_wait3A_516 : memref<128x64xf32, #tpu.memory_space<vmem>>) dst(%dma_wait3A_512 : memref<128x64xf32, #tpu.memory_space<hbm>>)
      %mul3A_517 = arith.constant 4 : i32
      %mul3A_518 = arith.muli %add3A_460, %mul3A_517 : i32
      %add3A_519 = arith.constant 0 : i32
      %add3A_520 = arith.addi %mul3A_518, %add3A_519 : i32
      %dma_start3A_521 = arith.constant 0 : i32
      %dma_start3A_522 = arith.constant 0 : i32
      %dma_start3A_523 = arith.constant 0 : i32
      %dma_start3A_524 = arith.constant 0 : i32
      %dma_start3A_525 = tpu.memref_slice %arg6[%dma_start3A_521, %dma_start3A_522, %dma_start3A_523, %dma_start3A_524] : memref<2x4x128x64xf32, #tpu.memory_space<vmem>> -> memref<1x1x128x64xf32, #tpu.memory_space<vmem>>
      %dma_start3A_526 = tpu.memref_squeeze %dma_start3A_525 : memref<1x1x128x64xf32, #tpu.memory_space<vmem>> -> memref<128x64xf32, #tpu.memory_space<vmem>>
      %dma_start3A_527 = arith.constant 0 : i32
      %dma_start3A_528 = tpu.memref_slice %arg5[%add3A_520, %dma_start3A_527] : memref<200x128xi32, #tpu.memory_space<vmem>> -> memref<1x128xi32, #tpu.memory_space<vmem>>
      %dma_start3A_529 = tpu.memref_squeeze %dma_start3A_528 : memref<1x128xi32, #tpu.memory_space<vmem>> -> memref<128xi32, #tpu.memory_space<vmem>>
      %dma_start3A_530 = arith.constant 0 : i32
      %dma_start3A_531 = arith.constant 0 : i32
      %dma_start3A_532 = tpu.memref_slice %arg3[%dma_start3A_530, %dma_start3A_531] : memref<1000000x64xf32, #tpu.memory_space<hbm>> -> memref<1000000x64xf32, #tpu.memory_space<hbm>>
      tpu.enqueue_indirect_dma source(%dma_start3A_532 : memref<1000000x64xf32, #tpu.memory_space<hbm>>) target(%dma_start3A_526 : memref<128x64xf32, #tpu.memory_space<vmem>>) offsets(%dma_start3A_529 : memref<128xi32, #tpu.memory_space<vmem>>) semaphore(%arg7 : memref<!tpu.dma_semaphore, #tpu.memory_space<semaphore_mem>>)
      %mul3A_533 = arith.constant 4 : i32
      %mul3A_534 = arith.muli %add3A_460, %mul3A_533 : i32
      %add3A_535 = arith.constant 1 : i32
      %add3A_536 = arith.addi %mul3A_534, %add3A_535 : i32
      %dma_start3A_537 = arith.constant 0 : i32
      %dma_start3A_538 = arith.constant 1 : i32
      %dma_start3A_539 = arith.constant 0 : i32
      %dma_start3A_540 = arith.constant 0 : i32
      %dma_start3A_541 = tpu.memref_slice %arg6[%dma_start3A_537, %dma_start3A_538, %dma_start3A_539, %dma_start3A_540] : memref<2x4x128x64xf32, #tpu.memory_space<vmem>> -> memref<1x1x128x64xf32, #tpu.memory_space<vmem>>
      %dma_start3A_542 = tpu.memref_squeeze %dma_start3A_541 : memref<1x1x128x64xf32, #tpu.memory_space<vmem>> -> memref<128x64xf32, #tpu.memory_space<vmem>>
      %dma_start3A_543 = arith.constant 0 : i32
      %dma_start3A_544 = tpu.memref_slice %arg5[%add3A_536, %dma_start3A_543] : memref<200x128xi32, #tpu.memory_space<vmem>> -> memref<1x128xi32, #tpu.memory_space<vmem>>
      %dma_start3A_545 = tpu.memref_squeeze %dma_start3A_544 : memref<1x128xi32, #tpu.memory_space<vmem>> -> memref<128xi32, #tpu.memory_space<vmem>>
      %dma_start3A_546 = arith.constant 0 : i32
      %dma_start3A_547 = arith.constant 0 : i32
      %dma_start3A_548 = tpu.memref_slice %arg3[%dma_start3A_546, %dma_start3A_547] : memref<1000000x64xf32, #tpu.memory_space<hbm>> -> memref<1000000x64xf32, #tpu.memory_space<hbm>>
      tpu.enqueue_indirect_dma source(%dma_start3A_548 : memref<1000000x64xf32, #tpu.memory_space<hbm>>) target(%dma_start3A_542 : memref<128x64xf32, #tpu.memory_space<vmem>>) offsets(%dma_start3A_545 : memref<128xi32, #tpu.memory_space<vmem>>) semaphore(%arg7 : memref<!tpu.dma_semaphore, #tpu.memory_space<semaphore_mem>>)
      %mul3A_549 = arith.constant 4 : i32
      %mul3A_550 = arith.muli %add3A_460, %mul3A_549 : i32
      %add3A_551 = arith.constant 2 : i32
      %add3A_552 = arith.addi %mul3A_550, %add3A_551 : i32
      %dma_start3A_553 = arith.constant 0 : i32
      %dma_start3A_554 = arith.constant 2 : i32
      %dma_start3A_555 = arith.constant 0 : i32
      %dma_start3A_556 = arith.constant 0 : i32
      %dma_start3A_557 = tpu.memref_slice %arg6[%dma_start3A_553, %dma_start3A_554, %dma_start3A_555, %dma_start3A_556] : memref<2x4x128x64xf32, #tpu.memory_space<vmem>> -> memref<1x1x128x64xf32, #tpu.memory_space<vmem>>
      %dma_start3A_558 = tpu.memref_squeeze %dma_start3A_557 : memref<1x1x128x64xf32, #tpu.memory_space<vmem>> -> memref<128x64xf32, #tpu.memory_space<vmem>>
      %dma_start3A_559 = arith.constant 0 : i32
      %dma_start3A_560 = tpu.memref_slice %arg5[%add3A_552, %dma_start3A_559] : memref<200x128xi32, #tpu.memory_space<vmem>> -> memref<1x128xi32, #tpu.memory_space<vmem>>
      %dma_start3A_561 = tpu.memref_squeeze %dma_start3A_560 : memref<1x128xi32, #tpu.memory_space<vmem>> -> memref<128xi32, #tpu.memory_space<vmem>>
      %dma_start3A_562 = arith.constant 0 : i32
      %dma_start3A_563 = arith.constant 0 : i32
      %dma_start3A_564 = tpu.memref_slice %arg3[%dma_start3A_562, %dma_start3A_563] : memref<1000000x64xf32, #tpu.memory_space<hbm>> -> memref<1000000x64xf32, #tpu.memory_space<hbm>>
      tpu.enqueue_indirect_dma source(%dma_start3A_564 : memref<1000000x64xf32, #tpu.memory_space<hbm>>) target(%dma_start3A_558 : memref<128x64xf32, #tpu.memory_space<vmem>>) offsets(%dma_start3A_561 : memref<128xi32, #tpu.memory_space<vmem>>) semaphore(%arg7 : memref<!tpu.dma_semaphore, #tpu.memory_space<semaphore_mem>>)
      %mul3A_565 = arith.constant 4 : i32
      %mul3A_566 = arith.muli %add3A_460, %mul3A_565 : i32
      %add3A_567 = arith.constant 3 : i32
      %add3A_568 = arith.addi %mul3A_566, %add3A_567 : i32
      %dma_start3A_569 = arith.constant 0 : i32
      %dma_start3A_570 = arith.constant 3 : i32
      %dma_start3A_571 = arith.constant 0 : i32
      %dma_start3A_572 = arith.constant 0 : i32
      %dma_start3A_573 = tpu.memref_slice %arg6[%dma_start3A_569, %dma_start3A_570, %dma_start3A_571, %dma_start3A_572] : memref<2x4x128x64xf32, #tpu.memory_space<vmem>> -> memref<1x1x128x64xf32, #tpu.memory_space<vmem>>
      %dma_start3A_574 = tpu.memref_squeeze %dma_start3A_573 : memref<1x1x128x64xf32, #tpu.memory_space<vmem>> -> memref<128x64xf32, #tpu.memory_space<vmem>>
      %dma_start3A_575 = arith.constant 0 : i32
      %dma_start3A_576 = tpu.memref_slice %arg5[%add3A_568, %dma_start3A_575] : memref<200x128xi32, #tpu.memory_space<vmem>> -> memref<1x128xi32, #tpu.memory_space<vmem>>
      %dma_start3A_577 = tpu.memref_squeeze %dma_start3A_576 : memref<1x128xi32, #tpu.memory_space<vmem>> -> memref<128xi32, #tpu.memory_space<vmem>>
      %dma_start3A_578 = arith.constant 0 : i32
      %dma_start3A_579 = arith.constant 0 : i32
      %dma_start3A_580 = tpu.memref_slice %arg3[%dma_start3A_578, %dma_start3A_579] : memref<1000000x64xf32, #tpu.memory_space<hbm>> -> memref<1000000x64xf32, #tpu.memory_space<hbm>>
      tpu.enqueue_indirect_dma source(%dma_start3A_580 : memref<1000000x64xf32, #tpu.memory_space<hbm>>) target(%dma_start3A_574 : memref<128x64xf32, #tpu.memory_space<vmem>>) offsets(%dma_start3A_577 : memref<128xi32, #tpu.memory_space<vmem>>) semaphore(%arg7 : memref<!tpu.dma_semaphore, #tpu.memory_space<semaphore_mem>>)
      %dma_wait3A_581 = arith.constant 0 : i32
      %dma_wait3A_582 = arith.constant 0 : i32
      %dma_wait3A_583 = arith.constant 0 : i32
      %dma_wait3A_584 = arith.constant 0 : i32
      %dma_wait3A_585 = arith.constant 0 : i32
      %dma_wait3A_586 = tpu.memref_slice %arg6[%dma_wait3A_582, %dma_wait3A_583, %dma_wait3A_584, %dma_wait3A_585] : memref<2x4x128x64xf32, #tpu.memory_space<vmem>> -> memref<1x1x128x64xf32, #tpu.memory_space<vmem>>
      %dma_wait3A_587 = tpu.memref_squeeze %dma_wait3A_586 : memref<1x1x128x64xf32, #tpu.memory_space<vmem>> -> memref<128x64xf32, #tpu.memory_space<vmem>>
      %dma_wait3A_588 = arith.constant 0 : i32
      %dma_wait3A_589 = tpu.memref_slice %arg5[%dma_wait3A_581, %dma_wait3A_588] : memref<200x128xi32, #tpu.memory_space<vmem>> -> memref<1x128xi32, #tpu.memory_space<vmem>>
      %dma_wait3A_590 = tpu.memref_squeeze %dma_wait3A_589 : memref<1x128xi32, #tpu.memory_space<vmem>> -> memref<128xi32, #tpu.memory_space<vmem>>
      %dma_wait3A_591 = arith.constant 0 : i32
      %dma_wait3A_592 = arith.constant 0 : i32
      %dma_wait3A_593 = tpu.memref_slice %arg3[%dma_wait3A_591, %dma_wait3A_592] : memref<1000000x64xf32, #tpu.memory_space<hbm>> -> memref<1000000x64xf32, #tpu.memory_space<hbm>>
      tpu.wait_indirect_dma semaphore(%arg7 : memref<!tpu.dma_semaphore, #tpu.memory_space<semaphore_mem>>) src(%dma_wait3A_593 : memref<1000000x64xf32, #tpu.memory_space<hbm>>) dst(%dma_wait3A_587 : memref<128x64xf32, #tpu.memory_space<vmem>>)
      %dma_wait3A_594 = arith.constant 0 : i32
      %dma_wait3A_595 = arith.constant 0 : i32
      %dma_wait3A_596 = arith.constant 1 : i32
      %dma_wait3A_597 = arith.constant 0 : i32
      %dma_wait3A_598 = arith.constant 0 : i32
      %dma_wait3A_599 = tpu.memref_slice %arg6[%dma_wait3A_595, %dma_wait3A_596, %dma_wait3A_597, %dma_wait3A_598] : memref<2x4x128x64xf32, #tpu.memory_space<vmem>> -> memref<1x1x128x64xf32, #tpu.memory_space<vmem>>
      %dma_wait3A_600 = tpu.memref_squeeze %dma_wait3A_599 : memref<1x1x128x64xf32, #tpu.memory_space<vmem>> -> memref<128x64xf32, #tpu.memory_space<vmem>>
      %dma_wait3A_601 = arith.constant 0 : i32
      %dma_wait3A_602 = tpu.memref_slice %arg5[%dma_wait3A_594, %dma_wait3A_601] : memref<200x128xi32, #tpu.memory_space<vmem>> -> memref<1x128xi32, #tpu.memory_space<vmem>>
      %dma_wait3A_603 = tpu.memref_squeeze %dma_wait3A_602 : memref<1x128xi32, #tpu.memory_space<vmem>> -> memref<128xi32, #tpu.memory_space<vmem>>
      %dma_wait3A_604 = arith.constant 0 : i32
      %dma_wait3A_605 = arith.constant 0 : i32
      %dma_wait3A_606 = tpu.memref_slice %arg3[%dma_wait3A_604, %dma_wait3A_605] : memref<1000000x64xf32, #tpu.memory_space<hbm>> -> memref<1000000x64xf32, #tpu.memory_space<hbm>>
      tpu.wait_indirect_dma semaphore(%arg7 : memref<!tpu.dma_semaphore, #tpu.memory_space<semaphore_mem>>) src(%dma_wait3A_606 : memref<1000000x64xf32, #tpu.memory_space<hbm>>) dst(%dma_wait3A_600 : memref<128x64xf32, #tpu.memory_space<vmem>>)
      %dma_wait3A_607 = arith.constant 0 : i32
      %dma_wait3A_608 = arith.constant 0 : i32
      %dma_wait3A_609 = arith.constant 2 : i32
      %dma_wait3A_610 = arith.constant 0 : i32
      %dma_wait3A_611 = arith.constant 0 : i32
      %dma_wait3A_612 = tpu.memref_slice %arg6[%dma_wait3A_608, %dma_wait3A_609, %dma_wait3A_610, %dma_wait3A_611] : memref<2x4x128x64xf32, #tpu.memory_space<vmem>> -> memref<1x1x128x64xf32, #tpu.memory_space<vmem>>
      %dma_wait3A_613 = tpu.memref_squeeze %dma_wait3A_612 : memref<1x1x128x64xf32, #tpu.memory_space<vmem>> -> memref<128x64xf32, #tpu.memory_space<vmem>>
      %dma_wait3A_614 = arith.constant 0 : i32
      %dma_wait3A_615 = tpu.memref_slice %arg5[%dma_wait3A_607, %dma_wait3A_614] : memref<200x128xi32, #tpu.memory_space<vmem>> -> memref<1x128xi32, #tpu.memory_space<vmem>>
      %dma_wait3A_616 = tpu.memref_squeeze %dma_wait3A_615 : memref<1x128xi32, #tpu.memory_space<vmem>> -> memref<128xi32, #tpu.memory_space<vmem>>
      %dma_wait3A_617 = arith.constant 0 : i32
      %dma_wait3A_618 = arith.constant 0 : i32
      %dma_wait3A_619 = tpu.memref_slice %arg3[%dma_wait3A_617, %dma_wait3A_618] : memref<1000000x64xf32, #tpu.memory_space<hbm>> -> memref<1000000x64xf32, #tpu.memory_space<hbm>>
      tpu.wait_indirect_dma semaphore(%arg7 : memref<!tpu.dma_semaphore, #tpu.memory_space<semaphore_mem>>) src(%dma_wait3A_619 : memref<1000000x64xf32, #tpu.memory_space<hbm>>) dst(%dma_wait3A_613 : memref<128x64xf32, #tpu.memory_space<vmem>>)
      %dma_wait3A_620 = arith.constant 0 : i32
      %dma_wait3A_621 = arith.constant 0 : i32
      %dma_wait3A_622 = arith.constant 3 : i32
      %dma_wait3A_623 = arith.constant 0 : i32
      %dma_wait3A_624 = arith.constant 0 : i32
      %dma_wait3A_625 = tpu.memref_slice %arg6[%dma_wait3A_621, %dma_wait3A_622, %dma_wait3A_623, %dma_wait3A_624] : memref<2x4x128x64xf32, #tpu.memory_space<vmem>> -> memref<1x1x128x64xf32, #tpu.memory_space<vmem>>
      %dma_wait3A_626 = tpu.memref_squeeze %dma_wait3A_625 : memref<1x1x128x64xf32, #tpu.memory_space<vmem>> -> memref<128x64xf32, #tpu.memory_space<vmem>>
      %dma_wait3A_627 = arith.constant 0 : i32
      %dma_wait3A_628 = tpu.memref_slice %arg5[%dma_wait3A_620, %dma_wait3A_627] : memref<200x128xi32, #tpu.memory_space<vmem>> -> memref<1x128xi32, #tpu.memory_space<vmem>>
      %dma_wait3A_629 = tpu.memref_squeeze %dma_wait3A_628 : memref<1x128xi32, #tpu.memory_space<vmem>> -> memref<128xi32, #tpu.memory_space<vmem>>
      %dma_wait3A_630 = arith.constant 0 : i32
      %dma_wait3A_631 = arith.constant 0 : i32
      %dma_wait3A_632 = tpu.memref_slice %arg3[%dma_wait3A_630, %dma_wait3A_631] : memref<1000000x64xf32, #tpu.memory_space<hbm>> -> memref<1000000x64xf32, #tpu.memory_space<hbm>>
      tpu.wait_indirect_dma semaphore(%arg7 : memref<!tpu.dma_semaphore, #tpu.memory_space<semaphore_mem>>) src(%dma_wait3A_632 : memref<1000000x64xf32, #tpu.memory_space<hbm>>) dst(%dma_wait3A_626 : memref<128x64xf32, #tpu.memory_space<vmem>>)
      %mul3A_633 = arith.constant 4 : i32
      %mul3A_634 = arith.muli %add3A_460, %mul3A_633 : i32
      %add3A_635 = arith.constant 0 : i32
      %add3A_636 = arith.addi %mul3A_634, %add3A_635 : i32
      %mul3A_637 = arith.constant 128 : i32
      %mul3A_638 = arith.muli %add3A_636, %mul3A_637 : i32
      %add3A_639 = arith.addi %mul3A_4, %mul3A_638 : i32
      %dma_start3A_640 = arith.constant 0 : i32
      %dma_start3A_641 = arith.constant 0 : i32
      %dma_start3A_642 = arith.constant 0 : i32
      %dma_start3A_643 = arith.constant 0 : i32
      %dma_start3A_644 = tpu.memref_slice %arg6[%dma_start3A_640, %dma_start3A_641, %dma_start3A_642, %dma_start3A_643] : memref<2x4x128x64xf32, #tpu.memory_space<vmem>> -> memref<1x1x128x64xf32, #tpu.memory_space<vmem>>
      %dma_start3A_645 = tpu.memref_squeeze %dma_start3A_644 : memref<1x1x128x64xf32, #tpu.memory_space<vmem>> -> memref<128x64xf32, #tpu.memory_space<vmem>>
      %dma_start3A_646 = arith.constant 0 : i32
      %dma_start3A_647 = tpu.memref_slice %arg4[%add3A_639, %dma_start3A_646] : memref<819200x64xf32, #tpu.memory_space<hbm>> -> memref<128x64xf32, #tpu.memory_space<hbm>>
      %dma_start3A_648 = arith.constant 0 : i32
      %dma_start3A_649 = tpu.memref_slice %arg4[%add3A_639, %dma_start3A_648] : memref<819200x64xf32, #tpu.memory_space<hbm>> -> memref<128x64xf32, #tpu.memory_space<hbm>>
      %dma_start3A_650 = arith.constant 0 : i32
      %dma_start3A_651 = arith.constant 0 : i32
      %dma_start3A_652 = tpu.memref_slice %arg6[%dma_start3A_640, %dma_start3A_641, %dma_start3A_650, %dma_start3A_651] : memref<2x4x128x64xf32, #tpu.memory_space<vmem>> -> memref<1x1x128x64xf32, #tpu.memory_space<vmem>>
      %dma_start3A_653 = tpu.memref_squeeze %dma_start3A_652 : memref<1x1x128x64xf32, #tpu.memory_space<vmem>> -> memref<128x64xf32, #tpu.memory_space<vmem>>
      tpu.enqueue_dma source(%dma_start3A_653 : memref<128x64xf32, #tpu.memory_space<vmem>>) target(%dma_start3A_649 : memref<128x64xf32, #tpu.memory_space<hbm>>) target_semaphore(%arg8 : memref<!tpu.dma_semaphore, #tpu.memory_space<semaphore_mem>>)
      %mul3A_654 = arith.constant 4 : i32
      %mul3A_655 = arith.muli %add3A_460, %mul3A_654 : i32
      %add3A_656 = arith.constant 1 : i32
      %add3A_657 = arith.addi %mul3A_655, %add3A_656 : i32
      %mul3A_658 = arith.constant 128 : i32
      %mul3A_659 = arith.muli %add3A_657, %mul3A_658 : i32
      %add3A_660 = arith.addi %mul3A_4, %mul3A_659 : i32
      %dma_start3A_661 = arith.constant 0 : i32
      %dma_start3A_662 = arith.constant 1 : i32
      %dma_start3A_663 = arith.constant 0 : i32
      %dma_start3A_664 = arith.constant 0 : i32
      %dma_start3A_665 = tpu.memref_slice %arg6[%dma_start3A_661, %dma_start3A_662, %dma_start3A_663, %dma_start3A_664] : memref<2x4x128x64xf32, #tpu.memory_space<vmem>> -> memref<1x1x128x64xf32, #tpu.memory_space<vmem>>
      %dma_start3A_666 = tpu.memref_squeeze %dma_start3A_665 : memref<1x1x128x64xf32, #tpu.memory_space<vmem>> -> memref<128x64xf32, #tpu.memory_space<vmem>>
      %dma_start3A_667 = arith.constant 0 : i32
      %dma_start3A_668 = tpu.memref_slice %arg4[%add3A_660, %dma_start3A_667] : memref<819200x64xf32, #tpu.memory_space<hbm>> -> memref<128x64xf32, #tpu.memory_space<hbm>>
      %dma_start3A_669 = arith.constant 0 : i32
      %dma_start3A_670 = tpu.memref_slice %arg4[%add3A_660, %dma_start3A_669] : memref<819200x64xf32, #tpu.memory_space<hbm>> -> memref<128x64xf32, #tpu.memory_space<hbm>>
      %dma_start3A_671 = arith.constant 0 : i32
      %dma_start3A_672 = arith.constant 0 : i32
      %dma_start3A_673 = tpu.memref_slice %arg6[%dma_start3A_661, %dma_start3A_662, %dma_start3A_671, %dma_start3A_672] : memref<2x4x128x64xf32, #tpu.memory_space<vmem>> -> memref<1x1x128x64xf32, #tpu.memory_space<vmem>>
      %dma_start3A_674 = tpu.memref_squeeze %dma_start3A_673 : memref<1x1x128x64xf32, #tpu.memory_space<vmem>> -> memref<128x64xf32, #tpu.memory_space<vmem>>
      tpu.enqueue_dma source(%dma_start3A_674 : memref<128x64xf32, #tpu.memory_space<vmem>>) target(%dma_start3A_670 : memref<128x64xf32, #tpu.memory_space<hbm>>) target_semaphore(%arg8 : memref<!tpu.dma_semaphore, #tpu.memory_space<semaphore_mem>>)
      %mul3A_675 = arith.constant 4 : i32
      %mul3A_676 = arith.muli %add3A_460, %mul3A_675 : i32
      %add3A_677 = arith.constant 2 : i32
      %add3A_678 = arith.addi %mul3A_676, %add3A_677 : i32
      %mul3A_679 = arith.constant 128 : i32
      %mul3A_680 = arith.muli %add3A_678, %mul3A_679 : i32
      %add3A_681 = arith.addi %mul3A_4, %mul3A_680 : i32
      %dma_start3A_682 = arith.constant 0 : i32
      %dma_start3A_683 = arith.constant 2 : i32
      %dma_start3A_684 = arith.constant 0 : i32
      %dma_start3A_685 = arith.constant 0 : i32
      %dma_start3A_686 = tpu.memref_slice %arg6[%dma_start3A_682, %dma_start3A_683, %dma_start3A_684, %dma_start3A_685] : memref<2x4x128x64xf32, #tpu.memory_space<vmem>> -> memref<1x1x128x64xf32, #tpu.memory_space<vmem>>
      %dma_start3A_687 = tpu.memref_squeeze %dma_start3A_686 : memref<1x1x128x64xf32, #tpu.memory_space<vmem>> -> memref<128x64xf32, #tpu.memory_space<vmem>>
      %dma_start3A_688 = arith.constant 0 : i32
      %dma_start3A_689 = tpu.memref_slice %arg4[%add3A_681, %dma_start3A_688] : memref<819200x64xf32, #tpu.memory_space<hbm>> -> memref<128x64xf32, #tpu.memory_space<hbm>>
      %dma_start3A_690 = arith.constant 0 : i32
      %dma_start3A_691 = tpu.memref_slice %arg4[%add3A_681, %dma_start3A_690] : memref<819200x64xf32, #tpu.memory_space<hbm>> -> memref<128x64xf32, #tpu.memory_space<hbm>>
      %dma_start3A_692 = arith.constant 0 : i32
      %dma_start3A_693 = arith.constant 0 : i32
      %dma_start3A_694 = tpu.memref_slice %arg6[%dma_start3A_682, %dma_start3A_683, %dma_start3A_692, %dma_start3A_693] : memref<2x4x128x64xf32, #tpu.memory_space<vmem>> -> memref<1x1x128x64xf32, #tpu.memory_space<vmem>>
      %dma_start3A_695 = tpu.memref_squeeze %dma_start3A_694 : memref<1x1x128x64xf32, #tpu.memory_space<vmem>> -> memref<128x64xf32, #tpu.memory_space<vmem>>
      tpu.enqueue_dma source(%dma_start3A_695 : memref<128x64xf32, #tpu.memory_space<vmem>>) target(%dma_start3A_691 : memref<128x64xf32, #tpu.memory_space<hbm>>) target_semaphore(%arg8 : memref<!tpu.dma_semaphore, #tpu.memory_space<semaphore_mem>>)
      %mul3A_696 = arith.constant 4 : i32
      %mul3A_697 = arith.muli %add3A_460, %mul3A_696 : i32
      %add3A_698 = arith.constant 3 : i32
      %add3A_699 = arith.addi %mul3A_697, %add3A_698 : i32
      %mul3A_700 = arith.constant 128 : i32
      %mul3A_701 = arith.muli %add3A_699, %mul3A_700 : i32
      %add3A_702 = arith.addi %mul3A_4, %mul3A_701 : i32
      %dma_start3A_703 = arith.constant 0 : i32
      %dma_start3A_704 = arith.constant 3 : i32
      %dma_start3A_705 = arith.constant 0 : i32
      %dma_start3A_706 = arith.constant 0 : i32
      %dma_start3A_707 = tpu.memref_slice %arg6[%dma_start3A_703, %dma_start3A_704, %dma_start3A_705, %dma_start3A_706] : memref<2x4x128x64xf32, #tpu.memory_space<vmem>> -> memref<1x1x128x64xf32, #tpu.memory_space<vmem>>
      %dma_start3A_708 = tpu.memref_squeeze %dma_start3A_707 : memref<1x1x128x64xf32, #tpu.memory_space<vmem>> -> memref<128x64xf32, #tpu.memory_space<vmem>>
      %dma_start3A_709 = arith.constant 0 : i32
      %dma_start3A_710 = tpu.memref_slice %arg4[%add3A_702, %dma_start3A_709] : memref<819200x64xf32, #tpu.memory_space<hbm>> -> memref<128x64xf32, #tpu.memory_space<hbm>>
      %dma_start3A_711 = arith.constant 0 : i32
      %dma_start3A_712 = tpu.memref_slice %arg4[%add3A_702, %dma_start3A_711] : memref<819200x64xf32, #tpu.memory_space<hbm>> -> memref<128x64xf32, #tpu.memory_space<hbm>>
      %dma_start3A_713 = arith.constant 0 : i32
      %dma_start3A_714 = arith.constant 0 : i32
      %dma_start3A_715 = tpu.memref_slice %arg6[%dma_start3A_703, %dma_start3A_704, %dma_start3A_713, %dma_start3A_714] : memref<2x4x128x64xf32, #tpu.memory_space<vmem>> -> memref<1x1x128x64xf32, #tpu.memory_space<vmem>>
      %dma_start3A_716 = tpu.memref_squeeze %dma_start3A_715 : memref<1x1x128x64xf32, #tpu.memory_space<vmem>> -> memref<128x64xf32, #tpu.memory_space<vmem>>
      tpu.enqueue_dma source(%dma_start3A_716 : memref<128x64xf32, #tpu.memory_space<vmem>>) target(%dma_start3A_712 : memref<128x64xf32, #tpu.memory_space<hbm>>) target_semaphore(%arg8 : memref<!tpu.dma_semaphore, #tpu.memory_space<semaphore_mem>>)
      %mul3A_717 = arith.constant 2 : i32
      %mul3A_718 = arith.muli %mul3A_717, %scan3A_456 : i32
      %add3A_719 = arith.constant 1 : i32
      %add3A_720 = arith.addi %mul3A_718, %add3A_719 : i32
      %dma_wait3A_721 = arith.constant 1 : i32
      %dma_wait3A_722 = arith.constant 0 : i32
      %dma_wait3A_723 = arith.constant 0 : i32
      %dma_wait3A_724 = arith.constant 0 : i32
      %dma_wait3A_725 = tpu.memref_slice %arg6[%dma_wait3A_721, %dma_wait3A_722, %dma_wait3A_723, %dma_wait3A_724] : memref<2x4x128x64xf32, #tpu.memory_space<vmem>> -> memref<1x1x128x64xf32, #tpu.memory_space<vmem>>
      %dma_wait3A_726 = tpu.memref_squeeze %dma_wait3A_725 : memref<1x1x128x64xf32, #tpu.memory_space<vmem>> -> memref<128x64xf32, #tpu.memory_space<vmem>>
      %dma_wait3A_727 = arith.constant 0 : i32
      %dma_wait3A_728 = tpu.memref_slice %arg4[%mul3A_4, %dma_wait3A_727] : memref<819200x64xf32, #tpu.memory_space<hbm>> -> memref<128x64xf32, #tpu.memory_space<hbm>>
      %dma_wait3A_729 = arith.constant 0 : i32
      %dma_wait3A_730 = tpu.memref_slice %arg4[%mul3A_4, %dma_wait3A_729] : memref<819200x64xf32, #tpu.memory_space<hbm>> -> memref<128x64xf32, #tpu.memory_space<hbm>>
      %dma_wait3A_731 = arith.constant 0 : i32
      %dma_wait3A_732 = arith.constant 0 : i32
      %dma_wait3A_733 = tpu.memref_slice %arg6[%dma_wait3A_721, %dma_wait3A_722, %dma_wait3A_731, %dma_wait3A_732] : memref<2x4x128x64xf32, #tpu.memory_space<vmem>> -> memref<1x1x128x64xf32, #tpu.memory_space<vmem>>
      %dma_wait3A_734 = tpu.memref_squeeze %dma_wait3A_733 : memref<1x1x128x64xf32, #tpu.memory_space<vmem>> -> memref<128x64xf32, #tpu.memory_space<vmem>>
      tpu.wait_dma2 semaphore(%arg8 : memref<!tpu.dma_semaphore, #tpu.memory_space<semaphore_mem>>) src(%dma_wait3A_734 : memref<128x64xf32, #tpu.memory_space<vmem>>) dst(%dma_wait3A_730 : memref<128x64xf32, #tpu.memory_space<hbm>>)
      %dma_wait3A_735 = arith.constant 1 : i32
      %dma_wait3A_736 = arith.constant 1 : i32
      %dma_wait3A_737 = arith.constant 0 : i32
      %dma_wait3A_738 = arith.constant 0 : i32
      %dma_wait3A_739 = tpu.memref_slice %arg6[%dma_wait3A_735, %dma_wait3A_736, %dma_wait3A_737, %dma_wait3A_738] : memref<2x4x128x64xf32, #tpu.memory_space<vmem>> -> memref<1x1x128x64xf32, #tpu.memory_space<vmem>>
      %dma_wait3A_740 = tpu.memref_squeeze %dma_wait3A_739 : memref<1x1x128x64xf32, #tpu.memory_space<vmem>> -> memref<128x64xf32, #tpu.memory_space<vmem>>
      %dma_wait3A_741 = arith.constant 0 : i32
      %dma_wait3A_742 = tpu.memref_slice %arg4[%mul3A_4, %dma_wait3A_741] : memref<819200x64xf32, #tpu.memory_space<hbm>> -> memref<128x64xf32, #tpu.memory_space<hbm>>
      %dma_wait3A_743 = arith.constant 0 : i32
      %dma_wait3A_744 = tpu.memref_slice %arg4[%mul3A_4, %dma_wait3A_743] : memref<819200x64xf32, #tpu.memory_space<hbm>> -> memref<128x64xf32, #tpu.memory_space<hbm>>
      %dma_wait3A_745 = arith.constant 0 : i32
      %dma_wait3A_746 = arith.constant 0 : i32
      %dma_wait3A_747 = tpu.memref_slice %arg6[%dma_wait3A_735, %dma_wait3A_736, %dma_wait3A_745, %dma_wait3A_746] : memref<2x4x128x64xf32, #tpu.memory_space<vmem>> -> memref<1x1x128x64xf32, #tpu.memory_space<vmem>>
      %dma_wait3A_748 = tpu.memref_squeeze %dma_wait3A_747 : memref<1x1x128x64xf32, #tpu.memory_space<vmem>> -> memref<128x64xf32, #tpu.memory_space<vmem>>
      tpu.wait_dma2 semaphore(%arg8 : memref<!tpu.dma_semaphore, #tpu.memory_space<semaphore_mem>>) src(%dma_wait3A_748 : memref<128x64xf32, #tpu.memory_space<vmem>>) dst(%dma_wait3A_744 : memref<128x64xf32, #tpu.memory_space<hbm>>)
      %dma_wait3A_749 = arith.constant 1 : i32
      %dma_wait3A_750 = arith.constant 2 : i32
      %dma_wait3A_751 = arith.constant 0 : i32
      %dma_wait3A_752 = arith.constant 0 : i32
      %dma_wait3A_753 = tpu.memref_slice %arg6[%dma_wait3A_749, %dma_wait3A_750, %dma_wait3A_751, %dma_wait3A_752] : memref<2x4x128x64xf32, #tpu.memory_space<vmem>> -> memref<1x1x128x64xf32, #tpu.memory_space<vmem>>
      %dma_wait3A_754 = tpu.memref_squeeze %dma_wait3A_753 : memref<1x1x128x64xf32, #tpu.memory_space<vmem>> -> memref<128x64xf32, #tpu.memory_space<vmem>>
      %dma_wait3A_755 = arith.constant 0 : i32
      %dma_wait3A_756 = tpu.memref_slice %arg4[%mul3A_4, %dma_wait3A_755] : memref<819200x64xf32, #tpu.memory_space<hbm>> -> memref<128x64xf32, #tpu.memory_space<hbm>>
      %dma_wait3A_757 = arith.constant 0 : i32
      %dma_wait3A_758 = tpu.memref_slice %arg4[%mul3A_4, %dma_wait3A_757] : memref<819200x64xf32, #tpu.memory_space<hbm>> -> memref<128x64xf32, #tpu.memory_space<hbm>>
      %dma_wait3A_759 = arith.constant 0 : i32
      %dma_wait3A_760 = arith.constant 0 : i32
      %dma_wait3A_761 = tpu.memref_slice %arg6[%dma_wait3A_749, %dma_wait3A_750, %dma_wait3A_759, %dma_wait3A_760] : memref<2x4x128x64xf32, #tpu.memory_space<vmem>> -> memref<1x1x128x64xf32, #tpu.memory_space<vmem>>
      %dma_wait3A_762 = tpu.memref_squeeze %dma_wait3A_761 : memref<1x1x128x64xf32, #tpu.memory_space<vmem>> -> memref<128x64xf32, #tpu.memory_space<vmem>>
      tpu.wait_dma2 semaphore(%arg8 : memref<!tpu.dma_semaphore, #tpu.memory_space<semaphore_mem>>) src(%dma_wait3A_762 : memref<128x64xf32, #tpu.memory_space<vmem>>) dst(%dma_wait3A_758 : memref<128x64xf32, #tpu.memory_space<hbm>>)
      %dma_wait3A_763 = arith.constant 1 : i32
      %dma_wait3A_764 = arith.constant 3 : i32
      %dma_wait3A_765 = arith.constant 0 : i32
      %dma_wait3A_766 = arith.constant 0 : i32
      %dma_wait3A_767 = tpu.memref_slice %arg6[%dma_wait3A_763, %dma_wait3A_764, %dma_wait3A_765, %dma_wait3A_766] : memref<2x4x128x64xf32, #tpu.memory_space<vmem>> -> memref<1x1x128x64xf32, #tpu.memory_space<vmem>>
      %dma_wait3A_768 = tpu.memref_squeeze %dma_wait3A_767 : memref<1x1x128x64xf32, #tpu.memory_space<vmem>> -> memref<128x64xf32, #tpu.memory_space<vmem>>
      %dma_wait3A_769 = arith.constant 0 : i32
      %dma_wait3A_770 = tpu.memref_slice %arg4[%mul3A_4, %dma_wait3A_769] : memref<819200x64xf32, #tpu.memory_space<hbm>> -> memref<128x64xf32, #tpu.memory_space<hbm>>
      %dma_wait3A_771 = arith.constant 0 : i32
      %dma_wait3A_772 = tpu.memref_slice %arg4[%mul3A_4, %dma_wait3A_771] : memref<819200x64xf32, #tpu.memory_space<hbm>> -> memref<128x64xf32, #tpu.memory_space<hbm>>
      %dma_wait3A_773 = arith.constant 0 : i32
      %dma_wait3A_774 = arith.constant 0 : i32
      %dma_wait3A_775 = tpu.memref_slice %arg6[%dma_wait3A_763, %dma_wait3A_764, %dma_wait3A_773, %dma_wait3A_774] : memref<2x4x128x64xf32, #tpu.memory_space<vmem>> -> memref<1x1x128x64xf32, #tpu.memory_space<vmem>>
      %dma_wait3A_776 = tpu.memref_squeeze %dma_wait3A_775 : memref<1x1x128x64xf32, #tpu.memory_space<vmem>> -> memref<128x64xf32, #tpu.memory_space<vmem>>
      tpu.wait_dma2 semaphore(%arg8 : memref<!tpu.dma_semaphore, #tpu.memory_space<semaphore_mem>>) src(%dma_wait3A_776 : memref<128x64xf32, #tpu.memory_space<vmem>>) dst(%dma_wait3A_772 : memref<128x64xf32, #tpu.memory_space<hbm>>)
      %mul3A_777 = arith.constant 4 : i32
      %mul3A_778 = arith.muli %add3A_720, %mul3A_777 : i32
      %add3A_779 = arith.constant 0 : i32
      %add3A_780 = arith.addi %mul3A_778, %add3A_779 : i32
      %dma_start3A_781 = arith.constant 1 : i32
      %dma_start3A_782 = arith.constant 0 : i32
      %dma_start3A_783 = arith.constant 0 : i32
      %dma_start3A_784 = arith.constant 0 : i32
      %dma_start3A_785 = tpu.memref_slice %arg6[%dma_start3A_781, %dma_start3A_782, %dma_start3A_783, %dma_start3A_784] : memref<2x4x128x64xf32, #tpu.memory_space<vmem>> -> memref<1x1x128x64xf32, #tpu.memory_space<vmem>>
      %dma_start3A_786 = tpu.memref_squeeze %dma_start3A_785 : memref<1x1x128x64xf32, #tpu.memory_space<vmem>> -> memref<128x64xf32, #tpu.memory_space<vmem>>
      %dma_start3A_787 = arith.constant 0 : i32
      %dma_start3A_788 = tpu.memref_slice %arg5[%add3A_780, %dma_start3A_787] : memref<200x128xi32, #tpu.memory_space<vmem>> -> memref<1x128xi32, #tpu.memory_space<vmem>>
      %dma_start3A_789 = tpu.memref_squeeze %dma_start3A_788 : memref<1x128xi32, #tpu.memory_space<vmem>> -> memref<128xi32, #tpu.memory_space<vmem>>
      %dma_start3A_790 = arith.constant 0 : i32
      %dma_start3A_791 = arith.constant 0 : i32
      %dma_start3A_792 = tpu.memref_slice %arg3[%dma_start3A_790, %dma_start3A_791] : memref<1000000x64xf32, #tpu.memory_space<hbm>> -> memref<1000000x64xf32, #tpu.memory_space<hbm>>
      tpu.enqueue_indirect_dma source(%dma_start3A_792 : memref<1000000x64xf32, #tpu.memory_space<hbm>>) target(%dma_start3A_786 : memref<128x64xf32, #tpu.memory_space<vmem>>) offsets(%dma_start3A_789 : memref<128xi32, #tpu.memory_space<vmem>>) semaphore(%arg7 : memref<!tpu.dma_semaphore, #tpu.memory_space<semaphore_mem>>)
      %mul3A_793 = arith.constant 4 : i32
      %mul3A_794 = arith.muli %add3A_720, %mul3A_793 : i32
      %add3A_795 = arith.constant 1 : i32
      %add3A_796 = arith.addi %mul3A_794, %add3A_795 : i32
      %dma_start3A_797 = arith.constant 1 : i32
      %dma_start3A_798 = arith.constant 1 : i32
      %dma_start3A_799 = arith.constant 0 : i32
      %dma_start3A_800 = arith.constant 0 : i32
      %dma_start3A_801 = tpu.memref_slice %arg6[%dma_start3A_797, %dma_start3A_798, %dma_start3A_799, %dma_start3A_800] : memref<2x4x128x64xf32, #tpu.memory_space<vmem>> -> memref<1x1x128x64xf32, #tpu.memory_space<vmem>>
      %dma_start3A_802 = tpu.memref_squeeze %dma_start3A_801 : memref<1x1x128x64xf32, #tpu.memory_space<vmem>> -> memref<128x64xf32, #tpu.memory_space<vmem>>
      %dma_start3A_803 = arith.constant 0 : i32
      %dma_start3A_804 = tpu.memref_slice %arg5[%add3A_796, %dma_start3A_803] : memref<200x128xi32, #tpu.memory_space<vmem>> -> memref<1x128xi32, #tpu.memory_space<vmem>>
      %dma_start3A_805 = tpu.memref_squeeze %dma_start3A_804 : memref<1x128xi32, #tpu.memory_space<vmem>> -> memref<128xi32, #tpu.memory_space<vmem>>
      %dma_start3A_806 = arith.constant 0 : i32
      %dma_start3A_807 = arith.constant 0 : i32
      %dma_start3A_808 = tpu.memref_slice %arg3[%dma_start3A_806, %dma_start3A_807] : memref<1000000x64xf32, #tpu.memory_space<hbm>> -> memref<1000000x64xf32, #tpu.memory_space<hbm>>
      tpu.enqueue_indirect_dma source(%dma_start3A_808 : memref<1000000x64xf32, #tpu.memory_space<hbm>>) target(%dma_start3A_802 : memref<128x64xf32, #tpu.memory_space<vmem>>) offsets(%dma_start3A_805 : memref<128xi32, #tpu.memory_space<vmem>>) semaphore(%arg7 : memref<!tpu.dma_semaphore, #tpu.memory_space<semaphore_mem>>)
      %mul3A_809 = arith.constant 4 : i32
      %mul3A_810 = arith.muli %add3A_720, %mul3A_809 : i32
      %add3A_811 = arith.constant 2 : i32
      %add3A_812 = arith.addi %mul3A_810, %add3A_811 : i32
      %dma_start3A_813 = arith.constant 1 : i32
      %dma_start3A_814 = arith.constant 2 : i32
      %dma_start3A_815 = arith.constant 0 : i32
      %dma_start3A_816 = arith.constant 0 : i32
      %dma_start3A_817 = tpu.memref_slice %arg6[%dma_start3A_813, %dma_start3A_814, %dma_start3A_815, %dma_start3A_816] : memref<2x4x128x64xf32, #tpu.memory_space<vmem>> -> memref<1x1x128x64xf32, #tpu.memory_space<vmem>>
      %dma_start3A_818 = tpu.memref_squeeze %dma_start3A_817 : memref<1x1x128x64xf32, #tpu.memory_space<vmem>> -> memref<128x64xf32, #tpu.memory_space<vmem>>
      %dma_start3A_819 = arith.constant 0 : i32
      %dma_start3A_820 = tpu.memref_slice %arg5[%add3A_812, %dma_start3A_819] : memref<200x128xi32, #tpu.memory_space<vmem>> -> memref<1x128xi32, #tpu.memory_space<vmem>>
      %dma_start3A_821 = tpu.memref_squeeze %dma_start3A_820 : memref<1x128xi32, #tpu.memory_space<vmem>> -> memref<128xi32, #tpu.memory_space<vmem>>
      %dma_start3A_822 = arith.constant 0 : i32
      %dma_start3A_823 = arith.constant 0 : i32
      %dma_start3A_824 = tpu.memref_slice %arg3[%dma_start3A_822, %dma_start3A_823] : memref<1000000x64xf32, #tpu.memory_space<hbm>> -> memref<1000000x64xf32, #tpu.memory_space<hbm>>
      tpu.enqueue_indirect_dma source(%dma_start3A_824 : memref<1000000x64xf32, #tpu.memory_space<hbm>>) target(%dma_start3A_818 : memref<128x64xf32, #tpu.memory_space<vmem>>) offsets(%dma_start3A_821 : memref<128xi32, #tpu.memory_space<vmem>>) semaphore(%arg7 : memref<!tpu.dma_semaphore, #tpu.memory_space<semaphore_mem>>)
      %mul3A_825 = arith.constant 4 : i32
      %mul3A_826 = arith.muli %add3A_720, %mul3A_825 : i32
      %add3A_827 = arith.constant 3 : i32
      %add3A_828 = arith.addi %mul3A_826, %add3A_827 : i32
      %dma_start3A_829 = arith.constant 1 : i32
      %dma_start3A_830 = arith.constant 3 : i32
      %dma_start3A_831 = arith.constant 0 : i32
      %dma_start3A_832 = arith.constant 0 : i32
      %dma_start3A_833 = tpu.memref_slice %arg6[%dma_start3A_829, %dma_start3A_830, %dma_start3A_831, %dma_start3A_832] : memref<2x4x128x64xf32, #tpu.memory_space<vmem>> -> memref<1x1x128x64xf32, #tpu.memory_space<vmem>>
      %dma_start3A_834 = tpu.memref_squeeze %dma_start3A_833 : memref<1x1x128x64xf32, #tpu.memory_space<vmem>> -> memref<128x64xf32, #tpu.memory_space<vmem>>
      %dma_start3A_835 = arith.constant 0 : i32
      %dma_start3A_836 = tpu.memref_slice %arg5[%add3A_828, %dma_start3A_835] : memref<200x128xi32, #tpu.memory_space<vmem>> -> memref<1x128xi32, #tpu.memory_space<vmem>>
      %dma_start3A_837 = tpu.memref_squeeze %dma_start3A_836 : memref<1x128xi32, #tpu.memory_space<vmem>> -> memref<128xi32, #tpu.memory_space<vmem>>
      %dma_start3A_838 = arith.constant 0 : i32
      %dma_start3A_839 = arith.constant 0 : i32
      %dma_start3A_840 = tpu.memref_slice %arg3[%dma_start3A_838, %dma_start3A_839] : memref<1000000x64xf32, #tpu.memory_space<hbm>> -> memref<1000000x64xf32, #tpu.memory_space<hbm>>
      tpu.enqueue_indirect_dma source(%dma_start3A_840 : memref<1000000x64xf32, #tpu.memory_space<hbm>>) target(%dma_start3A_834 : memref<128x64xf32, #tpu.memory_space<vmem>>) offsets(%dma_start3A_837 : memref<128xi32, #tpu.memory_space<vmem>>) semaphore(%arg7 : memref<!tpu.dma_semaphore, #tpu.memory_space<semaphore_mem>>)
      %dma_wait3A_841 = arith.constant 0 : i32
      %dma_wait3A_842 = arith.constant 1 : i32
      %dma_wait3A_843 = arith.constant 0 : i32
      %dma_wait3A_844 = arith.constant 0 : i32
      %dma_wait3A_845 = arith.constant 0 : i32
      %dma_wait3A_846 = tpu.memref_slice %arg6[%dma_wait3A_842, %dma_wait3A_843, %dma_wait3A_844, %dma_wait3A_845] : memref<2x4x128x64xf32, #tpu.memory_space<vmem>> -> memref<1x1x128x64xf32, #tpu.memory_space<vmem>>
      %dma_wait3A_847 = tpu.memref_squeeze %dma_wait3A_846 : memref<1x1x128x64xf32, #tpu.memory_space<vmem>> -> memref<128x64xf32, #tpu.memory_space<vmem>>
      %dma_wait3A_848 = arith.constant 0 : i32
      %dma_wait3A_849 = tpu.memref_slice %arg5[%dma_wait3A_841, %dma_wait3A_848] : memref<200x128xi32, #tpu.memory_space<vmem>> -> memref<1x128xi32, #tpu.memory_space<vmem>>
      %dma_wait3A_850 = tpu.memref_squeeze %dma_wait3A_849 : memref<1x128xi32, #tpu.memory_space<vmem>> -> memref<128xi32, #tpu.memory_space<vmem>>
      %dma_wait3A_851 = arith.constant 0 : i32
      %dma_wait3A_852 = arith.constant 0 : i32
      %dma_wait3A_853 = tpu.memref_slice %arg3[%dma_wait3A_851, %dma_wait3A_852] : memref<1000000x64xf32, #tpu.memory_space<hbm>> -> memref<1000000x64xf32, #tpu.memory_space<hbm>>
      tpu.wait_indirect_dma semaphore(%arg7 : memref<!tpu.dma_semaphore, #tpu.memory_space<semaphore_mem>>) src(%dma_wait3A_853 : memref<1000000x64xf32, #tpu.memory_space<hbm>>) dst(%dma_wait3A_847 : memref<128x64xf32, #tpu.memory_space<vmem>>)
      %dma_wait3A_854 = arith.constant 0 : i32
      %dma_wait3A_855 = arith.constant 1 : i32
      %dma_wait3A_856 = arith.constant 1 : i32
      %dma_wait3A_857 = arith.constant 0 : i32
      %dma_wait3A_858 = arith.constant 0 : i32
      %dma_wait3A_859 = tpu.memref_slice %arg6[%dma_wait3A_855, %dma_wait3A_856, %dma_wait3A_857, %dma_wait3A_858] : memref<2x4x128x64xf32, #tpu.memory_space<vmem>> -> memref<1x1x128x64xf32, #tpu.memory_space<vmem>>
      %dma_wait3A_860 = tpu.memref_squeeze %dma_wait3A_859 : memref<1x1x128x64xf32, #tpu.memory_space<vmem>> -> memref<128x64xf32, #tpu.memory_space<vmem>>
      %dma_wait3A_861 = arith.constant 0 : i32
      %dma_wait3A_862 = tpu.memref_slice %arg5[%dma_wait3A_854, %dma_wait3A_861] : memref<200x128xi32, #tpu.memory_space<vmem>> -> memref<1x128xi32, #tpu.memory_space<vmem>>
      %dma_wait3A_863 = tpu.memref_squeeze %dma_wait3A_862 : memref<1x128xi32, #tpu.memory_space<vmem>> -> memref<128xi32, #tpu.memory_space<vmem>>
      %dma_wait3A_864 = arith.constant 0 : i32
      %dma_wait3A_865 = arith.constant 0 : i32
      %dma_wait3A_866 = tpu.memref_slice %arg3[%dma_wait3A_864, %dma_wait3A_865] : memref<1000000x64xf32, #tpu.memory_space<hbm>> -> memref<1000000x64xf32, #tpu.memory_space<hbm>>
      tpu.wait_indirect_dma semaphore(%arg7 : memref<!tpu.dma_semaphore, #tpu.memory_space<semaphore_mem>>) src(%dma_wait3A_866 : memref<1000000x64xf32, #tpu.memory_space<hbm>>) dst(%dma_wait3A_860 : memref<128x64xf32, #tpu.memory_space<vmem>>)
      %dma_wait3A_867 = arith.constant 0 : i32
      %dma_wait3A_868 = arith.constant 1 : i32
      %dma_wait3A_869 = arith.constant 2 : i32
      %dma_wait3A_870 = arith.constant 0 : i32
      %dma_wait3A_871 = arith.constant 0 : i32
      %dma_wait3A_872 = tpu.memref_slice %arg6[%dma_wait3A_868, %dma_wait3A_869, %dma_wait3A_870, %dma_wait3A_871] : memref<2x4x128x64xf32, #tpu.memory_space<vmem>> -> memref<1x1x128x64xf32, #tpu.memory_space<vmem>>
      %dma_wait3A_873 = tpu.memref_squeeze %dma_wait3A_872 : memref<1x1x128x64xf32, #tpu.memory_space<vmem>> -> memref<128x64xf32, #tpu.memory_space<vmem>>
      %dma_wait3A_874 = arith.constant 0 : i32
      %dma_wait3A_875 = tpu.memref_slice %arg5[%dma_wait3A_867, %dma_wait3A_874] : memref<200x128xi32, #tpu.memory_space<vmem>> -> memref<1x128xi32, #tpu.memory_space<vmem>>
      %dma_wait3A_876 = tpu.memref_squeeze %dma_wait3A_875 : memref<1x128xi32, #tpu.memory_space<vmem>> -> memref<128xi32, #tpu.memory_space<vmem>>
      %dma_wait3A_877 = arith.constant 0 : i32
      %dma_wait3A_878 = arith.constant 0 : i32
      %dma_wait3A_879 = tpu.memref_slice %arg3[%dma_wait3A_877, %dma_wait3A_878] : memref<1000000x64xf32, #tpu.memory_space<hbm>> -> memref<1000000x64xf32, #tpu.memory_space<hbm>>
      tpu.wait_indirect_dma semaphore(%arg7 : memref<!tpu.dma_semaphore, #tpu.memory_space<semaphore_mem>>) src(%dma_wait3A_879 : memref<1000000x64xf32, #tpu.memory_space<hbm>>) dst(%dma_wait3A_873 : memref<128x64xf32, #tpu.memory_space<vmem>>)
      %dma_wait3A_880 = arith.constant 0 : i32
      %dma_wait3A_881 = arith.constant 1 : i32
      %dma_wait3A_882 = arith.constant 3 : i32
      %dma_wait3A_883 = arith.constant 0 : i32
      %dma_wait3A_884 = arith.constant 0 : i32
      %dma_wait3A_885 = tpu.memref_slice %arg6[%dma_wait3A_881, %dma_wait3A_882, %dma_wait3A_883, %dma_wait3A_884] : memref<2x4x128x64xf32, #tpu.memory_space<vmem>> -> memref<1x1x128x64xf32, #tpu.memory_space<vmem>>
      %dma_wait3A_886 = tpu.memref_squeeze %dma_wait3A_885 : memref<1x1x128x64xf32, #tpu.memory_space<vmem>> -> memref<128x64xf32, #tpu.memory_space<vmem>>
      %dma_wait3A_887 = arith.constant 0 : i32
      %dma_wait3A_888 = tpu.memref_slice %arg5[%dma_wait3A_880, %dma_wait3A_887] : memref<200x128xi32, #tpu.memory_space<vmem>> -> memref<1x128xi32, #tpu.memory_space<vmem>>
      %dma_wait3A_889 = tpu.memref_squeeze %dma_wait3A_888 : memref<1x128xi32, #tpu.memory_space<vmem>> -> memref<128xi32, #tpu.memory_space<vmem>>
      %dma_wait3A_890 = arith.constant 0 : i32
      %dma_wait3A_891 = arith.constant 0 : i32
      %dma_wait3A_892 = tpu.memref_slice %arg3[%dma_wait3A_890, %dma_wait3A_891] : memref<1000000x64xf32, #tpu.memory_space<hbm>> -> memref<1000000x64xf32, #tpu.memory_space<hbm>>
      tpu.wait_indirect_dma semaphore(%arg7 : memref<!tpu.dma_semaphore, #tpu.memory_space<semaphore_mem>>) src(%dma_wait3A_892 : memref<1000000x64xf32, #tpu.memory_space<hbm>>) dst(%dma_wait3A_886 : memref<128x64xf32, #tpu.memory_space<vmem>>)
      %mul3A_893 = arith.constant 4 : i32
      %mul3A_894 = arith.muli %add3A_720, %mul3A_893 : i32
      %add3A_895 = arith.constant 0 : i32
      %add3A_896 = arith.addi %mul3A_894, %add3A_895 : i32
      %mul3A_897 = arith.constant 128 : i32
      %mul3A_898 = arith.muli %add3A_896, %mul3A_897 : i32
      %add3A_899 = arith.addi %mul3A_4, %mul3A_898 : i32
      %dma_start3A_900 = arith.constant 1 : i32
      %dma_start3A_901 = arith.constant 0 : i32
      %dma_start3A_902 = arith.constant 0 : i32
      %dma_start3A_903 = arith.constant 0 : i32
      %dma_start3A_904 = tpu.memref_slice %arg6[%dma_start3A_900, %dma_start3A_901, %dma_start3A_902, %dma_start3A_903] : memref<2x4x128x64xf32, #tpu.memory_space<vmem>> -> memref<1x1x128x64xf32, #tpu.memory_space<vmem>>
      %dma_start3A_905 = tpu.memref_squeeze %dma_start3A_904 : memref<1x1x128x64xf32, #tpu.memory_space<vmem>> -> memref<128x64xf32, #tpu.memory_space<vmem>>
      %dma_start3A_906 = arith.constant 0 : i32
      %dma_start3A_907 = tpu.memref_slice %arg4[%add3A_899, %dma_start3A_906] : memref<819200x64xf32, #tpu.memory_space<hbm>> -> memref<128x64xf32, #tpu.memory_space<hbm>>
      %dma_start3A_908 = arith.constant 0 : i32
      %dma_start3A_909 = tpu.memref_slice %arg4[%add3A_899, %dma_start3A_908] : memref<819200x64xf32, #tpu.memory_space<hbm>> -> memref<128x64xf32, #tpu.memory_space<hbm>>
      %dma_start3A_910 = arith.constant 0 : i32
      %dma_start3A_911 = arith.constant 0 : i32
      %dma_start3A_912 = tpu.memref_slice %arg6[%dma_start3A_900, %dma_start3A_901, %dma_start3A_910, %dma_start3A_911] : memref<2x4x128x64xf32, #tpu.memory_space<vmem>> -> memref<1x1x128x64xf32, #tpu.memory_space<vmem>>
      %dma_start3A_913 = tpu.memref_squeeze %dma_start3A_912 : memref<1x1x128x64xf32, #tpu.memory_space<vmem>> -> memref<128x64xf32, #tpu.memory_space<vmem>>
      tpu.enqueue_dma source(%dma_start3A_913 : memref<128x64xf32, #tpu.memory_space<vmem>>) target(%dma_start3A_909 : memref<128x64xf32, #tpu.memory_space<hbm>>) target_semaphore(%arg8 : memref<!tpu.dma_semaphore, #tpu.memory_space<semaphore_mem>>)
      %mul3A_914 = arith.constant 4 : i32
      %mul3A_915 = arith.muli %add3A_720, %mul3A_914 : i32
      %add3A_916 = arith.constant 1 : i32
      %add3A_917 = arith.addi %mul3A_915, %add3A_916 : i32
      %mul3A_918 = arith.constant 128 : i32
      %mul3A_919 = arith.muli %add3A_917, %mul3A_918 : i32
      %add3A_920 = arith.addi %mul3A_4, %mul3A_919 : i32
      %dma_start3A_921 = arith.constant 1 : i32
      %dma_start3A_922 = arith.constant 1 : i32
      %dma_start3A_923 = arith.constant 0 : i32
      %dma_start3A_924 = arith.constant 0 : i32
      %dma_start3A_925 = tpu.memref_slice %arg6[%dma_start3A_921, %dma_start3A_922, %dma_start3A_923, %dma_start3A_924] : memref<2x4x128x64xf32, #tpu.memory_space<vmem>> -> memref<1x1x128x64xf32, #tpu.memory_space<vmem>>
      %dma_start3A_926 = tpu.memref_squeeze %dma_start3A_925 : memref<1x1x128x64xf32, #tpu.memory_space<vmem>> -> memref<128x64xf32, #tpu.memory_space<vmem>>
      %dma_start3A_927 = arith.constant 0 : i32
      %dma_start3A_928 = tpu.memref_slice %arg4[%add3A_920, %dma_start3A_927] : memref<819200x64xf32, #tpu.memory_space<hbm>> -> memref<128x64xf32, #tpu.memory_space<hbm>>
      %dma_start3A_929 = arith.constant 0 : i32
      %dma_start3A_930 = tpu.memref_slice %arg4[%add3A_920, %dma_start3A_929] : memref<819200x64xf32, #tpu.memory_space<hbm>> -> memref<128x64xf32, #tpu.memory_space<hbm>>
      %dma_start3A_931 = arith.constant 0 : i32
      %dma_start3A_932 = arith.constant 0 : i32
      %dma_start3A_933 = tpu.memref_slice %arg6[%dma_start3A_921, %dma_start3A_922, %dma_start3A_931, %dma_start3A_932] : memref<2x4x128x64xf32, #tpu.memory_space<vmem>> -> memref<1x1x128x64xf32, #tpu.memory_space<vmem>>
      %dma_start3A_934 = tpu.memref_squeeze %dma_start3A_933 : memref<1x1x128x64xf32, #tpu.memory_space<vmem>> -> memref<128x64xf32, #tpu.memory_space<vmem>>
      tpu.enqueue_dma source(%dma_start3A_934 : memref<128x64xf32, #tpu.memory_space<vmem>>) target(%dma_start3A_930 : memref<128x64xf32, #tpu.memory_space<hbm>>) target_semaphore(%arg8 : memref<!tpu.dma_semaphore, #tpu.memory_space<semaphore_mem>>)
      %mul3A_935 = arith.constant 4 : i32
      %mul3A_936 = arith.muli %add3A_720, %mul3A_935 : i32
      %add3A_937 = arith.constant 2 : i32
      %add3A_938 = arith.addi %mul3A_936, %add3A_937 : i32
      %mul3A_939 = arith.constant 128 : i32
      %mul3A_940 = arith.muli %add3A_938, %mul3A_939 : i32
      %add3A_941 = arith.addi %mul3A_4, %mul3A_940 : i32
      %dma_start3A_942 = arith.constant 1 : i32
      %dma_start3A_943 = arith.constant 2 : i32
      %dma_start3A_944 = arith.constant 0 : i32
      %dma_start3A_945 = arith.constant 0 : i32
      %dma_start3A_946 = tpu.memref_slice %arg6[%dma_start3A_942, %dma_start3A_943, %dma_start3A_944, %dma_start3A_945] : memref<2x4x128x64xf32, #tpu.memory_space<vmem>> -> memref<1x1x128x64xf32, #tpu.memory_space<vmem>>
      %dma_start3A_947 = tpu.memref_squeeze %dma_start3A_946 : memref<1x1x128x64xf32, #tpu.memory_space<vmem>> -> memref<128x64xf32, #tpu.memory_space<vmem>>
      %dma_start3A_948 = arith.constant 0 : i32
      %dma_start3A_949 = tpu.memref_slice %arg4[%add3A_941, %dma_start3A_948] : memref<819200x64xf32, #tpu.memory_space<hbm>> -> memref<128x64xf32, #tpu.memory_space<hbm>>
      %dma_start3A_950 = arith.constant 0 : i32
      %dma_start3A_951 = tpu.memref_slice %arg4[%add3A_941, %dma_start3A_950] : memref<819200x64xf32, #tpu.memory_space<hbm>> -> memref<128x64xf32, #tpu.memory_space<hbm>>
      %dma_start3A_952 = arith.constant 0 : i32
      %dma_start3A_953 = arith.constant 0 : i32
      %dma_start3A_954 = tpu.memref_slice %arg6[%dma_start3A_942, %dma_start3A_943, %dma_start3A_952, %dma_start3A_953] : memref<2x4x128x64xf32, #tpu.memory_space<vmem>> -> memref<1x1x128x64xf32, #tpu.memory_space<vmem>>
      %dma_start3A_955 = tpu.memref_squeeze %dma_start3A_954 : memref<1x1x128x64xf32, #tpu.memory_space<vmem>> -> memref<128x64xf32, #tpu.memory_space<vmem>>
      tpu.enqueue_dma source(%dma_start3A_955 : memref<128x64xf32, #tpu.memory_space<vmem>>) target(%dma_start3A_951 : memref<128x64xf32, #tpu.memory_space<hbm>>) target_semaphore(%arg8 : memref<!tpu.dma_semaphore, #tpu.memory_space<semaphore_mem>>)
      %mul3A_956 = arith.constant 4 : i32
      %mul3A_957 = arith.muli %add3A_720, %mul3A_956 : i32
      %add3A_958 = arith.constant 3 : i32
      %add3A_959 = arith.addi %mul3A_957, %add3A_958 : i32
      %mul3A_960 = arith.constant 128 : i32
      %mul3A_961 = arith.muli %add3A_959, %mul3A_960 : i32
      %add3A_962 = arith.addi %mul3A_4, %mul3A_961 : i32
      %dma_start3A_963 = arith.constant 1 : i32
      %dma_start3A_964 = arith.constant 3 : i32
      %dma_start3A_965 = arith.constant 0 : i32
      %dma_start3A_966 = arith.constant 0 : i32
      %dma_start3A_967 = tpu.memref_slice %arg6[%dma_start3A_963, %dma_start3A_964, %dma_start3A_965, %dma_start3A_966] : memref<2x4x128x64xf32, #tpu.memory_space<vmem>> -> memref<1x1x128x64xf32, #tpu.memory_space<vmem>>
      %dma_start3A_968 = tpu.memref_squeeze %dma_start3A_967 : memref<1x1x128x64xf32, #tpu.memory_space<vmem>> -> memref<128x64xf32, #tpu.memory_space<vmem>>
      %dma_start3A_969 = arith.constant 0 : i32
      %dma_start3A_970 = tpu.memref_slice %arg4[%add3A_962, %dma_start3A_969] : memref<819200x64xf32, #tpu.memory_space<hbm>> -> memref<128x64xf32, #tpu.memory_space<hbm>>
      %dma_start3A_971 = arith.constant 0 : i32
      %dma_start3A_972 = tpu.memref_slice %arg4[%add3A_962, %dma_start3A_971] : memref<819200x64xf32, #tpu.memory_space<hbm>> -> memref<128x64xf32, #tpu.memory_space<hbm>>
      %dma_start3A_973 = arith.constant 0 : i32
      %dma_start3A_974 = arith.constant 0 : i32
      %dma_start3A_975 = tpu.memref_slice %arg6[%dma_start3A_963, %dma_start3A_964, %dma_start3A_973, %dma_start3A_974] : memref<2x4x128x64xf32, #tpu.memory_space<vmem>> -> memref<1x1x128x64xf32, #tpu.memory_space<vmem>>
      %dma_start3A_976 = tpu.memref_squeeze %dma_start3A_975 : memref<1x1x128x64xf32, #tpu.memory_space<vmem>> -> memref<128x64xf32, #tpu.memory_space<vmem>>
      tpu.enqueue_dma source(%dma_start3A_976 : memref<128x64xf32, #tpu.memory_space<vmem>>) target(%dma_start3A_972 : memref<128x64xf32, #tpu.memory_space<hbm>>) target_semaphore(%arg8 : memref<!tpu.dma_semaphore, #tpu.memory_space<semaphore_mem>>)
    }
    %scan3A_343 = arith.constant 24 : i32
    %dma_wait3A_344 = arith.constant 0 : i32
    %dma_wait3A_345 = arith.constant 0 : i32
    %dma_wait3A_346 = arith.constant 0 : i32
    %dma_wait3A_347 = arith.constant 0 : i32
    %dma_wait3A_348 = tpu.memref_slice %arg6[%dma_wait3A_344, %dma_wait3A_345, %dma_wait3A_346, %dma_wait3A_347] : memref<2x4x128x64xf32, #tpu.memory_space<vmem>> -> memref<1x1x128x64xf32, #tpu.memory_space<vmem>>
    %dma_wait3A_349 = tpu.memref_squeeze %dma_wait3A_348 : memref<1x1x128x64xf32, #tpu.memory_space<vmem>> -> memref<128x64xf32, #tpu.memory_space<vmem>>
    %dma_wait3A_350 = arith.constant 0 : i32
    %dma_wait3A_351 = tpu.memref_slice %arg4[%mul3A_4, %dma_wait3A_350] : memref<819200x64xf32, #tpu.memory_space<hbm>> -> memref<128x64xf32, #tpu.memory_space<hbm>>
    %dma_wait3A_352 = arith.constant 0 : i32
    %dma_wait3A_353 = tpu.memref_slice %arg4[%mul3A_4, %dma_wait3A_352] : memref<819200x64xf32, #tpu.memory_space<hbm>> -> memref<128x64xf32, #tpu.memory_space<hbm>>
    %dma_wait3A_354 = arith.constant 0 : i32
    %dma_wait3A_355 = arith.constant 0 : i32
    %dma_wait3A_356 = tpu.memref_slice %arg6[%dma_wait3A_344, %dma_wait3A_345, %dma_wait3A_354, %dma_wait3A_355] : memref<2x4x128x64xf32, #tpu.memory_space<vmem>> -> memref<1x1x128x64xf32, #tpu.memory_space<vmem>>
    %dma_wait3A_357 = tpu.memref_squeeze %dma_wait3A_356 : memref<1x1x128x64xf32, #tpu.memory_space<vmem>> -> memref<128x64xf32, #tpu.memory_space<vmem>>
    tpu.wait_dma2 semaphore(%arg8 : memref<!tpu.dma_semaphore, #tpu.memory_space<semaphore_mem>>) src(%dma_wait3A_357 : memref<128x64xf32, #tpu.memory_space<vmem>>) dst(%dma_wait3A_353 : memref<128x64xf32, #tpu.memory_space<hbm>>)
    %dma_wait3A_358 = arith.constant 0 : i32
    %dma_wait3A_359 = arith.constant 1 : i32
    %dma_wait3A_360 = arith.constant 0 : i32
    %dma_wait3A_361 = arith.constant 0 : i32
    %dma_wait3A_362 = tpu.memref_slice %arg6[%dma_wait3A_358, %dma_wait3A_359, %dma_wait3A_360, %dma_wait3A_361] : memref<2x4x128x64xf32, #tpu.memory_space<vmem>> -> memref<1x1x128x64xf32, #tpu.memory_space<vmem>>
    %dma_wait3A_363 = tpu.memref_squeeze %dma_wait3A_362 : memref<1x1x128x64xf32, #tpu.memory_space<vmem>> -> memref<128x64xf32, #tpu.memory_space<vmem>>
    %dma_wait3A_364 = arith.constant 0 : i32
    %dma_wait3A_365 = tpu.memref_slice %arg4[%mul3A_4, %dma_wait3A_364] : memref<819200x64xf32, #tpu.memory_space<hbm>> -> memref<128x64xf32, #tpu.memory_space<hbm>>
    %dma_wait3A_366 = arith.constant 0 : i32
    %dma_wait3A_367 = tpu.memref_slice %arg4[%mul3A_4, %dma_wait3A_366] : memref<819200x64xf32, #tpu.memory_space<hbm>> -> memref<128x64xf32, #tpu.memory_space<hbm>>
    %dma_wait3A_368 = arith.constant 0 : i32
    %dma_wait3A_369 = arith.constant 0 : i32
    %dma_wait3A_370 = tpu.memref_slice %arg6[%dma_wait3A_358, %dma_wait3A_359, %dma_wait3A_368, %dma_wait3A_369] : memref<2x4x128x64xf32, #tpu.memory_space<vmem>> -> memref<1x1x128x64xf32, #tpu.memory_space<vmem>>
    %dma_wait3A_371 = tpu.memref_squeeze %dma_wait3A_370 : memref<1x1x128x64xf32, #tpu.memory_space<vmem>> -> memref<128x64xf32, #tpu.memory_space<vmem>>
    tpu.wait_dma2 semaphore(%arg8 : memref<!tpu.dma_semaphore, #tpu.memory_space<semaphore_mem>>) src(%dma_wait3A_371 : memref<128x64xf32, #tpu.memory_space<vmem>>) dst(%dma_wait3A_367 : memref<128x64xf32, #tpu.memory_space<hbm>>)
    %dma_wait3A_372 = arith.constant 0 : i32
    %dma_wait3A_373 = arith.constant 2 : i32
    %dma_wait3A_374 = arith.constant 0 : i32
    %dma_wait3A_375 = arith.constant 0 : i32
    %dma_wait3A_376 = tpu.memref_slice %arg6[%dma_wait3A_372, %dma_wait3A_373, %dma_wait3A_374, %dma_wait3A_375] : memref<2x4x128x64xf32, #tpu.memory_space<vmem>> -> memref<1x1x128x64xf32, #tpu.memory_space<vmem>>
    %dma_wait3A_377 = tpu.memref_squeeze %dma_wait3A_376 : memref<1x1x128x64xf32, #tpu.memory_space<vmem>> -> memref<128x64xf32, #tpu.memory_space<vmem>>
    %dma_wait3A_378 = arith.constant 0 : i32
    %dma_wait3A_379 = tpu.memref_slice %arg4[%mul3A_4, %dma_wait3A_378] : memref<819200x64xf32, #tpu.memory_space<hbm>> -> memref<128x64xf32, #tpu.memory_space<hbm>>
    %dma_wait3A_380 = arith.constant 0 : i32
    %dma_wait3A_381 = tpu.memref_slice %arg4[%mul3A_4, %dma_wait3A_380] : memref<819200x64xf32, #tpu.memory_space<hbm>> -> memref<128x64xf32, #tpu.memory_space<hbm>>
    %dma_wait3A_382 = arith.constant 0 : i32
    %dma_wait3A_383 = arith.constant 0 : i32
    %dma_wait3A_384 = tpu.memref_slice %arg6[%dma_wait3A_372, %dma_wait3A_373, %dma_wait3A_382, %dma_wait3A_383] : memref<2x4x128x64xf32, #tpu.memory_space<vmem>> -> memref<1x1x128x64xf32, #tpu.memory_space<vmem>>
    %dma_wait3A_385 = tpu.memref_squeeze %dma_wait3A_384 : memref<1x1x128x64xf32, #tpu.memory_space<vmem>> -> memref<128x64xf32, #tpu.memory_space<vmem>>
    tpu.wait_dma2 semaphore(%arg8 : memref<!tpu.dma_semaphore, #tpu.memory_space<semaphore_mem>>) src(%dma_wait3A_385 : memref<128x64xf32, #tpu.memory_space<vmem>>) dst(%dma_wait3A_381 : memref<128x64xf32, #tpu.memory_space<hbm>>)
    %dma_wait3A_386 = arith.constant 0 : i32
    %dma_wait3A_387 = arith.constant 3 : i32
    %dma_wait3A_388 = arith.constant 0 : i32
    %dma_wait3A_389 = arith.constant 0 : i32
    %dma_wait3A_390 = tpu.memref_slice %arg6[%dma_wait3A_386, %dma_wait3A_387, %dma_wait3A_388, %dma_wait3A_389] : memref<2x4x128x64xf32, #tpu.memory_space<vmem>> -> memref<1x1x128x64xf32, #tpu.memory_space<vmem>>
    %dma_wait3A_391 = tpu.memref_squeeze %dma_wait3A_390 : memref<1x1x128x64xf32, #tpu.memory_space<vmem>> -> memref<128x64xf32, #tpu.memory_space<vmem>>
    %dma_wait3A_392 = arith.constant 0 : i32
    %dma_wait3A_393 = tpu.memref_slice %arg4[%mul3A_4, %dma_wait3A_392] : memref<819200x64xf32, #tpu.memory_space<hbm>> -> memref<128x64xf32, #tpu.memory_space<hbm>>
    %dma_wait3A_394 = arith.constant 0 : i32
    %dma_wait3A_395 = tpu.memref_slice %arg4[%mul3A_4, %dma_wait3A_394] : memref<819200x64xf32, #tpu.memory_space<hbm>> -> memref<128x64xf32, #tpu.memory_space<hbm>>
    %dma_wait3A_396 = arith.constant 0 : i32
    %dma_wait3A_397 = arith.constant 0 : i32
    %dma_wait3A_398 = tpu.memref_slice %arg6[%dma_wait3A_386, %dma_wait3A_387, %dma_wait3A_396, %dma_wait3A_397] : memref<2x4x128x64xf32, #tpu.memory_space<vmem>> -> memref<1x1x128x64xf32, #tpu.memory_space<vmem>>
    %dma_wait3A_399 = tpu.memref_squeeze %dma_wait3A_398 : memref<1x1x128x64xf32, #tpu.memory_space<vmem>> -> memref<128x64xf32, #tpu.memory_space<vmem>>
    tpu.wait_dma2 semaphore(%arg8 : memref<!tpu.dma_semaphore, #tpu.memory_space<semaphore_mem>>) src(%dma_wait3A_399 : memref<128x64xf32, #tpu.memory_space<vmem>>) dst(%dma_wait3A_395 : memref<128x64xf32, #tpu.memory_space<hbm>>)
    %dma_wait3A_400 = arith.constant 1 : i32
    %dma_wait3A_401 = arith.constant 0 : i32
    %dma_wait3A_402 = arith.constant 0 : i32
    %dma_wait3A_403 = arith.constant 0 : i32
    %dma_wait3A_404 = tpu.memref_slice %arg6[%dma_wait3A_400, %dma_wait3A_401, %dma_wait3A_402, %dma_wait3A_403] : memref<2x4x128x64xf32, #tpu.memory_space<vmem>> -> memref<1x1x128x64xf32, #tpu.memory_space<vmem>>
    %dma_wait3A_405 = tpu.memref_squeeze %dma_wait3A_404 : memref<1x1x128x64xf32, #tpu.memory_space<vmem>> -> memref<128x64xf32, #tpu.memory_space<vmem>>
    %dma_wait3A_406 = arith.constant 0 : i32
    %dma_wait3A_407 = tpu.memref_slice %arg4[%mul3A_4, %dma_wait3A_406] : memref<819200x64xf32, #tpu.memory_space<hbm>> -> memref<128x64xf32, #tpu.memory_space<hbm>>
    %dma_wait3A_408 = arith.constant 0 : i32
    %dma_wait3A_409 = tpu.memref_slice %arg4[%mul3A_4, %dma_wait3A_408] : memref<819200x64xf32, #tpu.memory_space<hbm>> -> memref<128x64xf32, #tpu.memory_space<hbm>>
    %dma_wait3A_410 = arith.constant 0 : i32
    %dma_wait3A_411 = arith.constant 0 : i32
    %dma_wait3A_412 = tpu.memref_slice %arg6[%dma_wait3A_400, %dma_wait3A_401, %dma_wait3A_410, %dma_wait3A_411] : memref<2x4x128x64xf32, #tpu.memory_space<vmem>> -> memref<1x1x128x64xf32, #tpu.memory_space<vmem>>
    %dma_wait3A_413 = tpu.memref_squeeze %dma_wait3A_412 : memref<1x1x128x64xf32, #tpu.memory_space<vmem>> -> memref<128x64xf32, #tpu.memory_space<vmem>>
    tpu.wait_dma2 semaphore(%arg8 : memref<!tpu.dma_semaphore, #tpu.memory_space<semaphore_mem>>) src(%dma_wait3A_413 : memref<128x64xf32, #tpu.memory_space<vmem>>) dst(%dma_wait3A_409 : memref<128x64xf32, #tpu.memory_space<hbm>>)
    %dma_wait3A_414 = arith.constant 1 : i32
    %dma_wait3A_415 = arith.constant 1 : i32
    %dma_wait3A_416 = arith.constant 0 : i32
    %dma_wait3A_417 = arith.constant 0 : i32
    %dma_wait3A_418 = tpu.memref_slice %arg6[%dma_wait3A_414, %dma_wait3A_415, %dma_wait3A_416, %dma_wait3A_417] : memref<2x4x128x64xf32, #tpu.memory_space<vmem>> -> memref<1x1x128x64xf32, #tpu.memory_space<vmem>>
    %dma_wait3A_419 = tpu.memref_squeeze %dma_wait3A_418 : memref<1x1x128x64xf32, #tpu.memory_space<vmem>> -> memref<128x64xf32, #tpu.memory_space<vmem>>
    %dma_wait3A_420 = arith.constant 0 : i32
    %dma_wait3A_421 = tpu.memref_slice %arg4[%mul3A_4, %dma_wait3A_420] : memref<819200x64xf32, #tpu.memory_space<hbm>> -> memref<128x64xf32, #tpu.memory_space<hbm>>
    %dma_wait3A_422 = arith.constant 0 : i32
    %dma_wait3A_423 = tpu.memref_slice %arg4[%mul3A_4, %dma_wait3A_422] : memref<819200x64xf32, #tpu.memory_space<hbm>> -> memref<128x64xf32, #tpu.memory_space<hbm>>
    %dma_wait3A_424 = arith.constant 0 : i32
    %dma_wait3A_425 = arith.constant 0 : i32
    %dma_wait3A_426 = tpu.memref_slice %arg6[%dma_wait3A_414, %dma_wait3A_415, %dma_wait3A_424, %dma_wait3A_425] : memref<2x4x128x64xf32, #tpu.memory_space<vmem>> -> memref<1x1x128x64xf32, #tpu.memory_space<vmem>>
    %dma_wait3A_427 = tpu.memref_squeeze %dma_wait3A_426 : memref<1x1x128x64xf32, #tpu.memory_space<vmem>> -> memref<128x64xf32, #tpu.memory_space<vmem>>
    tpu.wait_dma2 semaphore(%arg8 : memref<!tpu.dma_semaphore, #tpu.memory_space<semaphore_mem>>) src(%dma_wait3A_427 : memref<128x64xf32, #tpu.memory_space<vmem>>) dst(%dma_wait3A_423 : memref<128x64xf32, #tpu.memory_space<hbm>>)
    %dma_wait3A_428 = arith.constant 1 : i32
    %dma_wait3A_429 = arith.constant 2 : i32
    %dma_wait3A_430 = arith.constant 0 : i32
    %dma_wait3A_431 = arith.constant 0 : i32
    %dma_wait3A_432 = tpu.memref_slice %arg6[%dma_wait3A_428, %dma_wait3A_429, %dma_wait3A_430, %dma_wait3A_431] : memref<2x4x128x64xf32, #tpu.memory_space<vmem>> -> memref<1x1x128x64xf32, #tpu.memory_space<vmem>>
    %dma_wait3A_433 = tpu.memref_squeeze %dma_wait3A_432 : memref<1x1x128x64xf32, #tpu.memory_space<vmem>> -> memref<128x64xf32, #tpu.memory_space<vmem>>
    %dma_wait3A_434 = arith.constant 0 : i32
    %dma_wait3A_435 = tpu.memref_slice %arg4[%mul3A_4, %dma_wait3A_434] : memref<819200x64xf32, #tpu.memory_space<hbm>> -> memref<128x64xf32, #tpu.memory_space<hbm>>
    %dma_wait3A_436 = arith.constant 0 : i32
    %dma_wait3A_437 = tpu.memref_slice %arg4[%mul3A_4, %dma_wait3A_436] : memref<819200x64xf32, #tpu.memory_space<hbm>> -> memref<128x64xf32, #tpu.memory_space<hbm>>
    %dma_wait3A_438 = arith.constant 0 : i32
    %dma_wait3A_439 = arith.constant 0 : i32
    %dma_wait3A_440 = tpu.memref_slice %arg6[%dma_wait3A_428, %dma_wait3A_429, %dma_wait3A_438, %dma_wait3A_439] : memref<2x4x128x64xf32, #tpu.memory_space<vmem>> -> memref<1x1x128x64xf32, #tpu.memory_space<vmem>>
    %dma_wait3A_441 = tpu.memref_squeeze %dma_wait3A_440 : memref<1x1x128x64xf32, #tpu.memory_space<vmem>> -> memref<128x64xf32, #tpu.memory_space<vmem>>
    tpu.wait_dma2 semaphore(%arg8 : memref<!tpu.dma_semaphore, #tpu.memory_space<semaphore_mem>>) src(%dma_wait3A_441 : memref<128x64xf32, #tpu.memory_space<vmem>>) dst(%dma_wait3A_437 : memref<128x64xf32, #tpu.memory_space<hbm>>)
    %dma_wait3A_442 = arith.constant 1 : i32
    %dma_wait3A_443 = arith.constant 3 : i32
    %dma_wait3A_444 = arith.constant 0 : i32
    %dma_wait3A_445 = arith.constant 0 : i32
    %dma_wait3A_446 = tpu.memref_slice %arg6[%dma_wait3A_442, %dma_wait3A_443, %dma_wait3A_444, %dma_wait3A_445] : memref<2x4x128x64xf32, #tpu.memory_space<vmem>> -> memref<1x1x128x64xf32, #tpu.memory_space<vmem>>
    %dma_wait3A_447 = tpu.memref_squeeze %dma_wait3A_446 : memref<1x1x128x64xf32, #tpu.memory_space<vmem>> -> memref<128x64xf32, #tpu.memory_space<vmem>>
    %dma_wait3A_448 = arith.constant 0 : i32
    %dma_wait3A_449 = tpu.memref_slice %arg4[%mul3A_4, %dma_wait3A_448] : memref<819200x64xf32, #tpu.memory_space<hbm>> -> memref<128x64xf32, #tpu.memory_space<hbm>>
    %dma_wait3A_450 = arith.constant 0 : i32
    %dma_wait3A_451 = tpu.memref_slice %arg4[%mul3A_4, %dma_wait3A_450] : memref<819200x64xf32, #tpu.memory_space<hbm>> -> memref<128x64xf32, #tpu.memory_space<hbm>>
    %dma_wait3A_452 = arith.constant 0 : i32
    %dma_wait3A_453 = arith.constant 0 : i32
    %dma_wait3A_454 = tpu.memref_slice %arg6[%dma_wait3A_442, %dma_wait3A_443, %dma_wait3A_452, %dma_wait3A_453] : memref<2x4x128x64xf32, #tpu.memory_space<vmem>> -> memref<1x1x128x64xf32, #tpu.memory_space<vmem>>
    %dma_wait3A_455 = tpu.memref_squeeze %dma_wait3A_454 : memref<1x1x128x64xf32, #tpu.memory_space<vmem>> -> memref<128x64xf32, #tpu.memory_space<vmem>>
    tpu.wait_dma2 semaphore(%arg8 : memref<!tpu.dma_semaphore, #tpu.memory_space<semaphore_mem>>) src(%dma_wait3A_455 : memref<128x64xf32, #tpu.memory_space<vmem>>) dst(%dma_wait3A_451 : memref<128x64xf32, #tpu.memory_space<hbm>>)
    return
  }
}

</mosaic_0001>

<sc_bundles>
// kernel: kernel.3.cloned.1.call-start
scs
__scs_entry_jumppad:
0x0: {  	(pc) =	sbr.rel $0x88, $3  }
0x1: {  	(tag) =	ssettag $0x0;
	lr =	simm.s32 $0x1  }
0x2: {  	[smem:$0x3F9F] =	sst lr;
	_ =	strace $0xD0000000  }
0x3: {  	_ = 	snop  }
0x4: {  	_ = 	snop  }
0x5: {  	_ = 	snop  }
0x6: {  	_ = 	snop  }
0x7: {  	_ = 	snop  }
__scs_overlays_trampoline_lowered:
0x8: {  	[smem:$0x3FAE] =	sst s0  }
0x9: {  	[smem:$0x3FAF] =	sst s1  }
0xa: {  	[smem:$0x3FB0] =	sst s2  }
0xb: {  	[smem:$0x3FB1] =	sst s3  }
0xc: {  	[smem:$0x3FB2] =	sst s4  }
0xd: {  	[smem:$0x3FB3] =	sst s5  }
0xe: {  	[smem:$0x3FB4] =	sst s6  }
0xf: {  	[smem:$0x3FB5] =	sst s7  }
0x10: {  	[smem:$0x3FB6] =	sst s8  }
0x11: {  	[smem:$0x3FB7] =	sst s9;
	s0 =	simm.s32 @!p0 $0x0  }
0x12: {  	s1 =	sld [smem:$0x3F9D];
	s0 =	simm.s32 @p0 $0x1  }
0x13: {  	[smem:$0x3FB8] =	sst s0;
	s0 =	simm.s32 @!p1 $0x0  }
0x14: {  	s2 =	sld [smem:$0x3F9C];
	s0 =	simm.s32 @p1 $0x1  }
0x15: {  	[smem:$0x3FB9] =	sst s0;
	s0 =	simm.s32 @!p2 $0x0  }
0x16: {  	s3 =	sld [smem:$0x3FDB];
	s0 =	simm.s32 @p2 $0x1  }
0x17: {  	s4 =	simm.s32 $0x1BF5;
	[smem:$0x3FBB] =	sst s0  }
0x18: {  	s0 =	sld [smem:$0x3F9E];
	_ =	swait.ge [sflag:s4], $0x0  }
0x19: {  	s7 =	sld [smem:$0x3F9F]  }
0x1a: {  	s8 =	sadd.s32 $0xFFFFE003, lr  }
0x1b: {  	s9 =	sadd.s32 $0xFFFFFEF7, lr;
	s5 =	simm.s32 $0xFFFFFFFF;
	p2 =	slt.u32 s8, $0xFFFFF086  }
0x1c: {  	p1 =	slt.u32 s9, $0xF7A;
	s5 =	simm.s32 @!p2 $0x0  }
0x1d: {  	s5 =	simm.s32 @p1 $0x1;
	p0 =	seq.s32 s7, s2  }
0x1e: {  	s7 =	smul.u32 @!p0 $0xF7A, s2;
	p2 =	seq.s32 @!p0 s5, $0x0  }
0x1f: {  	s9 =	smul.u32 $0xF7A, s1;
	s8 =	simm.s32 @!p0 $0x1BF5;
	p2 =	por !p2, p0  }
0x20: {  	[sflag:s8] =	ssyncset.s32 @!p0 $0xFFFFF086;
	s6 =	sadd.s32 @!p0 s3, s7;
	s7 =	simm.s32 @!p0 $0x108  }
0x21: {  	s3 =	sadd.s32 s3, s9;
	s6 =	sadd.s32 @!p0 $0x88, s6;
	s7 =	simm.s32 @p2 $0x1082  }
0x22: {  	[simem:s7], [sflag:s8] =	dma.local @!p0 [hbm:s6], $0xF7A  }
0x23: {  	s9 =	sor.u32 $0xD0000000, s2;
	s6 =	simm.s32 $0x108;
	_ =	swait.ge @!p0 [sflag:s8], $0x0  }
0x24: {  	s3 =	sadd.s32 $0x88, s3;
	s6 =	simm.s32 @!p1 $0x1082;
	[sflag:s4] =	ssyncset.s32 $0xFFFFF086  }
0x25: {  	[simem:s6], [sflag:s4] =	dma.local [hbm:s3], $0xF7A  }
0x26: {  	[smem:$0x3F9F] =	sst s1;
	(tag) =	ssettag s2;
	_ =	strace s9  }
0x27: {  	s1 =	sld [smem:$0x3FAF]  }
0x28: {  	s2 =	sld [smem:$0x3FB0]  }
0x29: {  	s4 =	sld [smem:$0x3FB2]  }
0x2a: {  	p0 =	seq.s32 s5, $0x0;
	s5 =	sld [smem:$0x3FB3]  }
0x2b: {  	s6 =	sld [smem:$0x3FB4]  }
0x2c: {  	s7 =	sld [smem:$0x3FB5]  }
0x2d: {  	s3 =	simm.s32 $0x108;
	s8 =	sld [smem:$0x3FB6]  }
0x2e: {  	s3 =	simm.s32 @!p0 $0x1082;
	s9 =	sld [smem:$0x3FB7]  }
0x2f: {  	lr =	sadd.s32 s0, s3;
	s0 =	sld [smem:$0x3FAE]  }
0x30: {  	s3 =	sld [smem:$0x3FB1]  }
0x31: {  	[smem:$0x3FBA] =	sst s10  }
0x32: {  	s10 =	sld [smem:$0x3FB8];
	_ =	sdelay $0x3  }
0x33: {  	p0 =	seq.s32 s10, $0x1;
	s10 =	sld [smem:$0x3FBA];
	_ =	sdelay $0x3  }
0x34: {  	[smem:$0x3FBA] =	sst s10  }
0x35: {  	s10 =	sld [smem:$0x3FB9];
	_ =	sdelay $0x3  }
0x36: {  	p1 =	seq.s32 s10, $0x1;
	s10 =	sld [smem:$0x3FBA];
	_ =	sdelay $0x3  }
0x37: {  	[smem:$0x3FBA] =	sst s10  }
0x38: {  	s10 =	sld [smem:$0x3FBB]  }
0x39: {  	_ = 	snop;
	(pc) =	sbr.ind lr, $3  }
0x3a: {  	_ = 	snop  }
0x3b: {  	_ = 	snop  }
0x3c: {  	p2 =	seq.s32 s10, $0x1;
	s10 =	sld [smem:$0x3FBA]  }
0x3d: {  	_ =	shalt  }
0x3e: {  	_ =	shalt  }
0x3f: {  	_ =	shalt  }
0x40: {  	_ =	shalt  }
0x41: {  	_ =	shalt  }
0x42: {  	_ =	shalt  }
0x43: {  	_ =	shalt  }
0x44: {  	_ =	shalt  }
0x45: {  	_ =	shalt  }
0x46: {  	_ =	shalt  }
0x47: {  	_ =	shalt  }
0x48: {  	_ =	shalt  }
0x49: {  	_ =	shalt  }
0x4a: {  	_ =	shalt  }
0x4b: {  	_ =	shalt  }
0x4c: {  	_ =	shalt  }
0x4d: {  	_ =	shalt  }
0x4e: {  	_ =	shalt  }
0x4f: {  	_ =	shalt  }
0x50: {  	_ =	shalt  }
0x51: {  	_ =	shalt  }
0x52: {  	_ =	shalt  }
0x53: {  	_ =	shalt  }
0x54: {  	_ =	shalt  }
0x55: {  	_ =	shalt  }
0x56: {  	_ =	shalt  }
0x57: {  	_ =	shalt  }
0x58: {  	_ =	shalt  }
0x59: {  	_ =	shalt  }
0x5a: {  	_ =	shalt  }
0x5b: {  	_ =	shalt  }
0x5c: {  	_ =	shalt  }
0x5d: {  	_ =	shalt  }
0x5e: {  	_ =	shalt  }
0x5f: {  	_ =	shalt  }
0x60: {  	_ =	shalt  }
0x61: {  	_ =	shalt  }
0x62: {  	_ =	shalt  }
0x63: {  	_ =	shalt  }
0x64: {  	_ =	shalt  }
0x65: {  	_ =	shalt  }
0x66: {  	_ =	shalt  }
0x67: {  	_ =	shalt  }
0x68: {  	_ =	shalt  }
0x69: {  	_ =	shalt  }
0x6a: {  	_ =	shalt  }
0x6b: {  	_ =	shalt  }
0x6c: {  	_ =	shalt  }
0x6d: {  	_ =	shalt  }
0x6e: {  	_ =	shalt  }
0x6f: {  	_ =	shalt  }
0x70: {  	_ =	shalt  }
0x71: {  	_ =	shalt  }
0x72: {  	_ =	shalt  }
0x73: {  	_ =	shalt  }
0x74: {  	_ =	shalt  }
0x75: {  	_ =	shalt  }
0x76: {  	_ =	shalt  }
0x77: {  	_ =	shalt  }
0x78: {  	_ =	shalt  }
0x79: {  	_ =	shalt  }
0x7a: {  	_ =	shalt  }
0x7b: {  	_ =	shalt  }
0x7c: {  	_ =	shalt  }
0x7d: {  	_ =	shalt  }
0x7e: {  	_ =	shalt  }
0x7f: {  	_ =	shalt  }
0x80: {  	_ =	shalt  }
0x81: {  	_ =	shalt  }
0x82: {  	_ =	shalt  }
0x83: {  	_ =	shalt  }
0x84: {  	_ =	shalt  }
0x85: {  	_ =	shalt  }
0x86: {  	_ =	shalt  }
0x87: {  	_ =	shalt  }
.Lfunc_end0:
.L_simem_size_0:
called_computation.1_lowered:
.L_overlay_start_0:
0x88: {  	s2 =	sld [smem:$0x3FD9]  }
0x89: {  	s3 =	sld [smem:$0x3FFE];
	_ =	sdelay $0x1  }
0x8a: {  	s1 =	srdreg.scid  }
0x8b: {  	s0 =	sand.u32 $0x1, s1  }
0x8c: {  	s17 =	sshll.u32 s0, $0xA;
	s2 =	sadd.s32 s3, s2  }
0x8d: {  	s2 =	sadd.s32 s2, s17  }
0x8e: {  	[smem:$0x3FC6] =	sst s2  }
0x8f: {  	_ = 	snop  }
0x90: {  	s2 =	sld [smem:$0x3FD0];
	(tm) =	ssettm $0x1  }
0x91: {  	s18 =	sld [smem:$0x3FFB];
	_ =	sdelay $0x3  }
0x92: {  	_ =	strace s18  }
0x93: {  	s3 =	sld [smem:$0x3FFC];
	_ =	sdelay $0x3  }
0x94: {  	_ =	strace s3  }
0x95: {  	s3 =	sld [smem:$0x3FFD];
	_ =	sdelay $0x3  }
0x96: {  	_ =	strace s3  }
0x97: {  	_ =	strace $0x8FFFFFFF  }
0x98: {  	s19 =	sld [smem:$0x3FDB];
	_ =	sdelay $0x1  }
0x99: {  	s4 =	simm.s32 $_scs_section_size  }
0x9a: {  	s5 =	simm.s32 $_size__tile_overlayer_lowered;
	s6 =	simm.s32 $_tile_overlayer_lowered  }
0x9b: {  	s22 =	simm.s32 $0x1BFF;
	s21 =	sshll.u32 s6, $0x1;
	s3 =	sadd.s32 s4, s19  }
0x9c: {  	s7 =	simm.s32 $0x0;
	s20 =	sshll.u32 s5, $0x1;
	s5 =	sadd.s32 s21, s3  }
0x9d: {  	[timem:s7], [sflag:s22] =	dma.local [hbm:s5], s20  }
0x9e: {  	_ =	swait.ge [sflag:s22], s20  }
0x9f: {  	s4 =	ssub.s32 $0x0, s20;
	[sflag:s22] =	ssyncset.done $0x0  }
0xa0: {  	[sflag:s22] =	ssyncadd.s32 s4;
	_ =	sdelay $0x1  }
0xa1: {  	s23 =	simm.s32 $0x1B8B  }
0xa2: {  	_ =	swait.ge [sflag:s23], $0x1  }
0xa3: {  	[sflag:s23] =	ssyncset.done $0x0  }
0xa4: {  	s25 =	simm.s32 $0x1B8E;
	s24 =	sld [smem:$0x3FFE];
	[sflag:s23] =	ssyncadd.s32 $0xFFFFFFFF  }
0xa5: {  	s26 =	simm.s32 $execute0_lowered;
	[smem:$0x3FD2] =	sst s25  }
0xa6: {  	s5 =	sshll.u32 s26, $0x1;
	_ =	strace $0x80000046;
	[dreg:$0x1] =	wrdreg $0xFFFFFFFF  }
0xa7: {  	s28 =	simm.s32 $_size_execute0_lowered;
	s3 =	sadd.s32 s3, s5;
	[dreg:$0x0] =	wrdreg $0x0  }
0xa8: {  	s5 =	sshll.u32 s28, $0x1;
	[dreg:$0x2] =	wrdreg s3  }
0xa9: {  	[dreg:$0x3] =	wrdreg s5  }
0xaa: {  	[dreg:$0x4] =	wrdreg $0xC0  }
0xab: {  	_ =	task [dreg:s7], $0x5FFFF  }
0xac: {  	[dreg:$0x1] =	wrdreg $0xFFFFFFFF  }
0xad: {  	[dreg:$0x0] =	wrdreg $0x60  }
0xae: {  	[dreg:$0x2] =	wrdreg s24  }
0xaf: {  	[dreg:$0x3] =	wrdreg s2  }
0xb0: {  	[dreg:$0x4] =	wrdreg $0x9  }
0xb1: {  	_ =	task.clear_ibuf [dreg:s7], $0x5FFFF;
	_ =	strace $0x90000046  }
0xb2: {  	s29 =	simm.s32 $0x9;
	_ =	strace $0x80000048  }
0xb3: {  	_ =	swait.ge [sflag:s29], $0x1  }
0xb4: {  	[sflag:s29] =	ssyncadd.s32 $0xFFFFFFFF  }
0xb5: {  	_ =	strace $0x90000048  }
0xb6: {  	_ =	sfence  }
0xb7: {  	s30 =	sld [smem:$0x0];
	_ =	sdelay $0x2  }
0xb8: {  	s31 =	sshll.u32 s1, $0xD;
	s1 =	sshrl.u32 s1, $0x2  }
0xb9: {  	s3 =	sand.u32 $0x4000, s31;
	s1 =	sadd.s32 s1, s30  }
0xba: {  	s0 =	sor.u32 s3, s0;
	s1 =	sshll.u32 s1, $0x11  }
0xbb: {  	s0 =	sor.u32 s1, s0  }
0xbc: {  	s0 =	sadd.s32 $0x8F2B, s0  }
0xbd: {  	[sflag:s0] =	ssyncadd.remote.s32 $0x1  }
0xbe: {  	_ =	sfence.sel $0xFFFF  }
0xbf: {  	[dreg:$0x0] =	wrdreg $0xFFFFFFFF;
	(pc) =	sbr.abs _section_cstart, $3  }
0xc0: {  	[dreg:$0x1] =	wrdreg $0xFFFFFFFF  }
0xc1: {  	_ =	task.clear_ibuf [dreg:s7], $0x2FFFF;
	_ =	strace $0x9FFFFFFF  }
0xc2: {  	(tm) =	ssettm $0x7FFFFFFF  }
0xc3: {  	_ =	shalt  }
tec
execute0_lowered:
.L_overlay_start_1:
0x0: {  	(tag) =	ssettag $0x1  }
0x1: {  	s0 =	srdreg.scid  }
0x2: {  	s10 =	stileid.u32;
	s4 =	rddreg [dreg:$0x0]  }
0x3: {  	s2 =	rddreg [dreg:$0x1];
	s3 =	simm.s32 $0x0;
	s16 =	simm.s32 $0x3  }
0x4: {  	s17 =	simm.s32 $0x80;
	s18 =	simm.s32 $0x6400;
	s19 =	simm.s32 $0x8400  }
0x5: {  	s21 =	simm.s32 $0xA400;
	s28 =	simm.s32 $0x10400;
	s7 =	smul.u32 $0x320000, s10  }
0x6: {  	s0 =	sand.u32 $0x1, s0;
	s1 =	sshll.u32 s10, $0x1;
	s10 =	smul.u32 $0xC800, s10  }
0x7: {  	s30 =	simm.s32 $0x12400;
	s20 =	simm.s32 $0x2;
	s8 =	smul.u32 $0x190000, s0  }
0x8: {  	s1 =	sor.u32 s0, s1;
	s6 =	ssub.s32 $0x2, s0;
	s0 =	smul.u32 $0x6400, s0  }
0x9: {  	s22 =	simm.s32 $0x0;
	[smem:$0x7FF] =	sst s3;
	s5 =	smul.u32 $0xC80, s1  }
0xa: {  	_ =	strace $0x80000047;
	s1 =	smul.u32 $0x32000, s1;
	s9 =	sshrl.u32 s6, $0x1  }
0xb: {  	s14 =	ssub.s32 s6, s9;
	s23 =	sadd.s32 s8, s7;
	s0 =	sadd.s32 s0, s10  }
0xc: {  	s5 =	sadd.s32 s5, s4;
	s4 =	sadd.s32 $0xF42E00, s4;
	s6 =	sadd.s32 s2, s1  }
0xd: {  	s25 =	sadd.s32 $0x18000, s23;
	s0 =	sshll.u32 s0, $0x3;
	s5 =	sadd.s32 $0xA00, s5  }
0xe: {  	s14 =	smax.u32 s14, $0x1;
	s24 =	sadd.s32 $0x400, s6;
	[dreg:$0xa] =	wrdreg s5  }
0xf: {  	s1 =	simm.s32 $0x14400;
	s26 =	sadd.s32 $0x800, s6;
	[dreg:$0xb] =	wrdreg s24  }
0x10: {  	s29 =	sshrl.u32 s25, $0x3;
	s9 =	sadd.s32 $0xC00, s6;
	[dreg:$0xc] =	wrdreg s26  }
0x11: {  	s11 =	sadd.s32 $0x3800, s0;
	s10 =	sadd.s32 $0x1000, s6;
	[dreg:$0x3] =	wrdreg s29  }
0x12: {  	s12 =	sadd.s32 $0x3400, s0;
	s13 =	sadd.s32 $0x3C00, s0;
	[dreg:$0x4] =	wrdreg s11  }
0x13: {  	s15 =	sadd.s32 $0x2800, s0;
	s31 =	sadd.s32 $0x2400, s0;
	[dreg:$0x5] =	wrdreg s12  }
0x14: {  	s0 =	sadd.s32 $0x2C00, s0;
	s25 =	simm.s32 $0xE400;
	[dreg:$0x6] =	wrdreg s13  }
0x15: {  	s11 =	sadd.s32 $0x1400, s6;
	s12 =	sadd.s32 $0x1800, s6;
	[dreg:$0x7] =	wrdreg s15  }
0x16: {  	s13 =	sadd.s32 $0x1C00, s6;
	[dreg:$0x8] =	wrdreg s31;
	s15 =	sadd.s32 $0x10000, s23  }
0x17: {  	[dreg:$0x9] =	wrdreg s0;
	s23 =	simm.s32 $0xC400;
	s0 =	simm.s32 $0x1  }
.LBB2_1:
0x18: {  	s5 =	rddreg [dreg:$0xa]  }
0x19: {  	[tilespmem:s3], [sflag:$0x3] =	stream.linear.gather [hbm4b:s5+s3], $0x6400, $0x38;
	[tilespmem:$0x16400] =	vst v63  }
0x1a: {  	_ =	swait.ge [sflag:s16], $0x6400  }
0x1b: {  	[sflag:s16] =	ssyncset.done $0x0  }
0x1c: {  	[sflag:s16] =	ssyncadd.s32 $0xFFFF9C00  }
0x1d: {  	[tilespmem:s18], [sflag:$0x1] =	stream.indirect.gather [hbm4b:s4+s17], $0x40, s3, s17, $0xb8;
	[tilespmem:$0x16400] =	vst v63  }
0x1e: {  	_ = 	snop  }
0x1f: {  	[tilespmem:s19], [sflag:$0x1] =	stream.indirect.gather [hbm4b:s4+s17], $0x40, s17, s17, $0xb8;
	[tilespmem:$0x16400] =	vst v63  }
0x20: {  	s26 =	simm.s32 $0x100  }
0x21: {  	[tilespmem:s21], [sflag:$0x1] =	stream.indirect.gather [hbm4b:s4+s17], $0x40, s26, s17, $0xb8;
	[tilespmem:$0x16400] =	vst v63  }
0x22: {  	s7 =	simm.s32 $0x180  }
0x23: {  	[tilespmem:s23], [sflag:$0x1] =	stream.indirect.gather [hbm4b:s4+s17], $0x40, s7, s17, $0xb8;
	[tilespmem:$0x16400] =	vst v63  }
0x24: {  	s8 =	simm.s32 $0x200  }
0x25: {  	[tilespmem:s25], [sflag:$0x1] =	stream.indirect.gather [hbm4b:s4+s17], $0x40, s8, s17, $0xb8;
	[tilespmem:$0x16400] =	vst v63  }
0x26: {  	s24 =	simm.s32 $0x280  }
0x27: {  	[tilespmem:s28], [sflag:$0x1] =	stream.indirect.gather [hbm4b:s4+s17], $0x40, s24, s17, $0xb8;
	[tilespmem:$0x16400] =	vst v63  }
0x28: {  	s26 =	simm.s32 $0x300  }
0x29: {  	[tilespmem:s30], [sflag:$0x1] =	stream.indirect.gather [hbm4b:s4+s17], $0x40, s26, s17, $0xb8;
	[tilespmem:$0x16400] =	vst v63  }
0x2a: {  	s7 =	simm.s32 $0x380  }
0x2b: {  	[tilespmem:s1], [sflag:$0x1] =	stream.indirect.gather [hbm4b:s4+s17], $0x40, s7, s17, $0xb8;
	[tilespmem:$0x16400] =	vst v63  }
0x2c: {  	_ =	swait.ge [sflag:s0], $0x2000  }
0x2d: {  	[sflag:s0] =	ssyncset.done $0x0  }
0x2e: {  	[sflag:s0] =	ssyncadd.s32 $0xFFFFE000  }
0x2f: {  	_ =	swait.ge [sflag:s0], $0x2000  }
0x30: {  	[sflag:s0] =	ssyncset.done $0x0  }
0x31: {  	[sflag:s0] =	ssyncadd.s32 $0xFFFFE000  }
0x32: {  	_ =	swait.ge [sflag:s0], $0x2000  }
0x33: {  	[sflag:s0] =	ssyncset.done $0x0  }
0x34: {  	[sflag:s0] =	ssyncadd.s32 $0xFFFFE000  }
0x35: {  	_ =	swait.ge [sflag:s0], $0x2000  }
0x36: {  	[sflag:s0] =	ssyncset.done $0x0  }
0x37: {  	[sflag:s0] =	ssyncadd.s32 $0xFFFFE000  }
0x38: {  	[hbm4b:s6+s3] =	stream.linear.scatter [tilespmem:s18], [sflag:$0x2], $0x2000, $0x38;
	[tilespmem:$0x16400] =	vst v63  }
0x39: {  	s8 =	rddreg [dreg:$0xb]  }
0x3a: {  	[hbm4b:s8+s3] =	stream.linear.scatter [tilespmem:s19], [sflag:$0x2], $0x2000, $0x38;
	[tilespmem:$0x16400] =	vst v63  }
0x3b: {  	s24 =	rddreg [dreg:$0xc]  }
0x3c: {  	[hbm4b:s24+s3] =	stream.linear.scatter [tilespmem:s21], [sflag:$0x2], $0x2000, $0x38;
	[tilespmem:$0x16400] =	vst v63  }
0x3d: {  	_ = 	snop  }
0x3e: {  	[hbm4b:s9+s3] =	stream.linear.scatter [tilespmem:s23], [sflag:$0x2], $0x2000, $0x38;
	[tilespmem:$0x16400] =	vst v63  }
0x3f: {  	_ =	swait.ge [sflag:s0], $0x2000  }
0x40: {  	[sflag:s0] =	ssyncset.done $0x0  }
0x41: {  	[sflag:s0] =	ssyncadd.s32 $0xFFFFE000  }
0x42: {  	_ =	swait.ge [sflag:s0], $0x2000  }
0x43: {  	[sflag:s0] =	ssyncset.done $0x0  }
0x44: {  	[sflag:s0] =	ssyncadd.s32 $0xFFFFE000  }
0x45: {  	_ =	swait.ge [sflag:s0], $0x2000  }
0x46: {  	[sflag:s0] =	ssyncset.done $0x0  }
0x47: {  	[sflag:s0] =	ssyncadd.s32 $0xFFFFE000  }
0x48: {  	_ =	swait.ge [sflag:s0], $0x2000  }
0x49: {  	[sflag:s0] =	ssyncset.done $0x0  }
0x4a: {  	[sflag:s0] =	ssyncadd.s32 $0xFFFFE000  }
0x4b: {  	[hbm4b:s10+s3] =	stream.linear.scatter [tilespmem:s25], [sflag:$0x2], $0x2000, $0x38;
	[tilespmem:$0x16400] =	vst v63  }
0x4c: {  	_ = 	snop  }
0x4d: {  	[hbm4b:s11+s3] =	stream.linear.scatter [tilespmem:s28], [sflag:$0x2], $0x2000, $0x38;
	[tilespmem:$0x16400] =	vst v63  }
0x4e: {  	_ = 	snop  }
0x4f: {  	[hbm4b:s12+s3] =	stream.linear.scatter [tilespmem:s30], [sflag:$0x2], $0x2000, $0x38;
	[tilespmem:$0x16400] =	vst v63  }
0x50: {  	_ = 	snop  }
0x51: {  	[hbm4b:s13+s3] =	stream.linear.scatter [tilespmem:s1], [sflag:$0x2], $0x2000, $0x38;
	[tilespmem:$0x16400] =	vst v63  }
0x52: {  	_ =	swait.ge [sflag:s20], $0x2000  }
0x53: {  	[sflag:s20] =	ssyncset.done $0x0  }
0x54: {  	[sflag:s20] =	ssyncadd.s32 $0xFFFFE000  }
0x55: {  	_ =	swait.ge [sflag:s20], $0x2000  }
0x56: {  	[sflag:s20] =	ssyncset.done $0x0  }
0x57: {  	[sflag:s20] =	ssyncadd.s32 $0xFFFFE000  }
0x58: {  	_ =	swait.ge [sflag:s20], $0x2000  }
0x59: {  	[sflag:s20] =	ssyncset.done $0x0  }
0x5a: {  	[sflag:s20] =	ssyncadd.s32 $0xFFFFE000  }
0x5b: {  	_ =	swait.ge [sflag:s20], $0x2000  }
0x5c: {  	[sflag:s20] =	ssyncset.done $0x0  }
0x5d: {  	s24 =	simm.s32 $0x400;
	[sflag:s20] =	ssyncadd.s32 $0xFFFFE000  }
0x5e: {  	[tilespmem:s18], [sflag:$0x1] =	stream.indirect.gather [hbm4b:s4+s17], $0x40, s24, s17, $0xb8;
	[tilespmem:$0x16400] =	vst v63  }
0x5f: {  	s26 =	simm.s32 $0x480  }
0x60: {  	[tilespmem:s19], [sflag:$0x1] =	stream.indirect.gather [hbm4b:s4+s17], $0x40, s26, s17, $0xb8;
	[tilespmem:$0x16400] =	vst v63  }
0x61: {  	s5 =	simm.s32 $0x500  }
0x62: {  	[tilespmem:s21], [sflag:$0x1] =	stream.indirect.gather [hbm4b:s4+s17], $0x40, s5, s17, $0xb8;
	[tilespmem:$0x16400] =	vst v63  }
0x63: {  	s7 =	simm.s32 $0x580  }
0x64: {  	[tilespmem:s23], [sflag:$0x1] =	stream.indirect.gather [hbm4b:s4+s17], $0x40, s7, s17, $0xb8;
	[tilespmem:$0x16400] =	vst v63  }
0x65: {  	_ =	swait.ge [sflag:s0], $0x2000  }
0x66: {  	[sflag:s0] =	ssyncset.done $0x0  }
0x67: {  	[sflag:s0] =	ssyncadd.s32 $0xFFFFE000  }
0x68: {  	_ =	swait.ge [sflag:s0], $0x2000  }
0x69: {  	[sflag:s0] =	ssyncset.done $0x0  }
0x6a: {  	[sflag:s0] =	ssyncadd.s32 $0xFFFFE000  }
0x6b: {  	_ =	swait.ge [sflag:s0], $0x2000  }
0x6c: {  	[sflag:s0] =	ssyncset.done $0x0  }
0x6d: {  	[sflag:s0] =	ssyncadd.s32 $0xFFFFE000  }
0x6e: {  	_ =	swait.ge [sflag:s0], $0x2000  }
0x6f: {  	s8 =	sshrl.u32 s15, $0x3;
	[sflag:s0] =	ssyncset.done $0x0  }
0x70: {  	s24 =	sadd.s32 s2, s8;
	s26 =	rddreg [dreg:$0x8];
	[sflag:s0] =	ssyncadd.s32 $0xFFFFE000  }
0x71: {  	[hbm4b:s24+s3] =	stream.linear.scatter [tilespmem:s18], [sflag:$0x2], $0x2000, $0x38;
	[tilespmem:$0x16400] =	vst v63  }
0x72: {  	s29 =	rddreg [dreg:$0x7];
	s5 =	sadd.s32 s2, s26  }
0x73: {  	[hbm4b:s5+s3] =	stream.linear.scatter [tilespmem:s19], [sflag:$0x2], $0x2000, $0x38;
	[tilespmem:$0x16400] =	vst v63  }
0x74: {  	s7 =	rddreg [dreg:$0x9];
	s8 =	sadd.s32 s2, s29  }
0x75: {  	[hbm4b:s8+s3] =	stream.linear.scatter [tilespmem:s21], [sflag:$0x2], $0x2000, $0x38;
	[tilespmem:$0x16400] =	vst v63  }
0x76: {  	s5 =	sadd.s32 s2, s7  }
0x77: {  	[hbm4b:s5+s3] =	stream.linear.scatter [tilespmem:s23], [sflag:$0x2], $0x2000, $0x38;
	[tilespmem:$0x16400] =	vst v63  }
0x78: {  	_ =	swait.ge [sflag:s20], $0x2000  }
0x79: {  	[sflag:s20] =	ssyncset.done $0x0  }
0x7a: {  	[sflag:s20] =	ssyncadd.s32 $0xFFFFE000  }
0x7b: {  	_ =	swait.ge [sflag:s20], $0x2000  }
0x7c: {  	[sflag:s20] =	ssyncset.done $0x0  }
0x7d: {  	[sflag:s20] =	ssyncadd.s32 $0xFFFFE000  }
0x7e: {  	_ =	swait.ge [sflag:s20], $0x2000  }
0x7f: {  	[sflag:s20] =	ssyncset.done $0x0  }
0x80: {  	[sflag:s20] =	ssyncadd.s32 $0xFFFFE000  }
0x81: {  	_ =	swait.ge [sflag:s20], $0x2000  }
0x82: {  	[sflag:s20] =	ssyncset.done $0x0  }
0x83: {  	s7 =	simm.s32 $0x600;
	[sflag:s20] =	ssyncadd.s32 $0xFFFFE000  }
0x84: {  	[tilespmem:s25], [sflag:$0x1] =	stream.indirect.gather [hbm4b:s4+s17], $0x40, s7, s17, $0xb8;
	[tilespmem:$0x16400] =	vst v63  }
0x85: {  	s8 =	simm.s32 $0x680  }
0x86: {  	[tilespmem:s28], [sflag:$0x1] =	stream.indirect.gather [hbm4b:s4+s17], $0x40, s8, s17, $0xb8;
	[tilespmem:$0x16400] =	vst v63  }
0x87: {  	s26 =	simm.s32 $0x700  }
0x88: {  	[tilespmem:s30], [sflag:$0x1] =	stream.indirect.gather [hbm4b:s4+s17], $0x40, s26, s17, $0xb8;
	[tilespmem:$0x16400] =	vst v63  }
0x89: {  	s5 =	simm.s32 $0x780  }
0x8a: {  	[tilespmem:s1], [sflag:$0x1] =	stream.indirect.gather [hbm4b:s4+s17], $0x40, s5, s17, $0xb8;
	[tilespmem:$0x16400] =	vst v63  }
0x8b: {  	_ =	swait.ge [sflag:s0], $0x2000  }
0x8c: {  	[sflag:s0] =	ssyncset.done $0x0  }
0x8d: {  	[sflag:s0] =	ssyncadd.s32 $0xFFFFE000  }
0x8e: {  	_ =	swait.ge [sflag:s0], $0x2000  }
0x8f: {  	[sflag:s0] =	ssyncset.done $0x0  }
0x90: {  	[sflag:s0] =	ssyncadd.s32 $0xFFFFE000  }
0x91: {  	_ =	swait.ge [sflag:s0], $0x2000  }
0x92: {  	[sflag:s0] =	ssyncset.done $0x0  }
0x93: {  	[sflag:s0] =	ssyncadd.s32 $0xFFFFE000  }
0x94: {  	_ =	swait.ge [sflag:s0], $0x2000  }
0x95: {  	s7 =	rddreg [dreg:$0x3]  }
0x96: {  	s26 =	sadd.s32 $0x10000, s15;
	s8 =	rddreg [dreg:$0x5];
	[sflag:s0] =	ssyncset.done $0x0  }
0x97: {  	s29 =	rddreg [dreg:$0x4];
	[sflag:s0] =	ssyncadd.s32 $0xFFFFE000;
	s24 =	sadd.s32 s2, s7  }
0x98: {  	[hbm4b:s24+s3] =	stream.linear.scatter [tilespmem:s25], [sflag:$0x2], $0x2000, $0x38;
	[tilespmem:$0x16400] =	vst v63  }
0x99: {  	s5 =	sadd.s32 s2, s8;
	s7 =	rddreg [dreg:$0x6];
	s8 =	sadd.s32 s2, s29  }
0x9a: {  	[hbm4b:s5+s3] =	stream.linear.scatter [tilespmem:s28], [sflag:$0x2], $0x2000, $0x38;
	[tilespmem:$0x16400] =	vst v63  }
0x9b: {  	s29 =	sadd.s32 $0x2000, s2;
	s24 =	simm.s32 $0x1000;
	s31 =	sadd.s32 s2, s7  }
0x9c: {  	[hbm4b:s8+s3] =	stream.linear.scatter [tilespmem:s30], [sflag:$0x2], $0x2000, $0x38;
	[tilespmem:$0x16400] =	vst v63  }
.LBB2_2:
0x9d: {  	[hbm4b:s31+s3] =	stream.linear.scatter [tilespmem:s1], [sflag:$0x2], $0x2000, $0x38;
	[tilespmem:$0x16400] =	vst v63  }
0x9e: {  	_ =	swait.ge [sflag:s20], $0x2000  }
0x9f: {  	[sflag:s20] =	ssyncset.done $0x0  }
0xa0: {  	[sflag:s20] =	ssyncadd.s32 $0xFFFFE000  }
0xa1: {  	_ =	swait.ge [sflag:s20], $0x2000  }
0xa2: {  	[sflag:s20] =	ssyncset.done $0x0  }
0xa3: {  	[sflag:s20] =	ssyncadd.s32 $0xFFFFE000  }
0xa4: {  	_ =	swait.ge [sflag:s20], $0x2000  }
0xa5: {  	[sflag:s20] =	ssyncset.done $0x0  }
0xa6: {  	[sflag:s20] =	ssyncadd.s32 $0xFFFFE000  }
0xa7: {  	s31 =	smov.u32 s24;
	_ =	swait.ge [sflag:s20], $0x2000  }
0xa8: {  	s31 =	sshra.s32 s31, $0x2;
	[sflag:s20] =	ssyncset.done $0x0  }
0xa9: {  	s5 =	sadd.s32 $0x400, s31;
	[sflag:s20] =	ssyncadd.s32 $0xFFFFE000  }
0xaa: {  	[tilespmem:s18], [sflag:$0x1] =	stream.indirect.gather [hbm4b:s4+s17], $0x40, s5, s17, $0xb8;
	[tilespmem:$0x16400] =	vst v63  }
0xab: {  	s7 =	sadd.s32 $0x480, s31  }
0xac: {  	[tilespmem:s19], [sflag:$0x1] =	stream.indirect.gather [hbm4b:s4+s17], $0x40, s7, s17, $0xb8;
	[tilespmem:$0x16400] =	vst v63  }
0xad: {  	s8 =	sadd.s32 $0x500, s31  }
0xae: {  	[tilespmem:s21], [sflag:$0x1] =	stream.indirect.gather [hbm4b:s4+s17], $0x40, s8, s17, $0xb8;
	[tilespmem:$0x16400] =	vst v63  }
0xaf: {  	s7 =	sadd.s32 $0x580, s31  }
0xb0: {  	[tilespmem:s23], [sflag:$0x1] =	stream.indirect.gather [hbm4b:s4+s17], $0x40, s7, s17, $0xb8;
	[tilespmem:$0x16400] =	vst v63  }
0xb1: {  	_ =	swait.ge [sflag:s0], $0x2000  }
0xb2: {  	[sflag:s0] =	ssyncset.done $0x0  }
0xb3: {  	[sflag:s0] =	ssyncadd.s32 $0xFFFFE000  }
0xb4: {  	_ =	swait.ge [sflag:s0], $0x2000  }
0xb5: {  	[sflag:s0] =	ssyncset.done $0x0  }
0xb6: {  	[sflag:s0] =	ssyncadd.s32 $0xFFFFE000  }
0xb7: {  	_ =	swait.ge [sflag:s0], $0x2000  }
0xb8: {  	[sflag:s0] =	ssyncset.done $0x0  }
0xb9: {  	[sflag:s0] =	ssyncadd.s32 $0xFFFFE000  }
0xba: {  	_ =	swait.ge [sflag:s0], $0x2000  }
0xbb: {  	s8 =	sshrl.u32 s26, $0x3;
	[sflag:s0] =	ssyncset.done $0x0  }
0xbc: {  	s5 =	sadd.s32 s2, s8;
	s7 =	rddreg [dreg:$0x8];
	[sflag:s0] =	ssyncadd.s32 $0xFFFFE000  }
0xbd: {  	[hbm4b:s5+s3] =	stream.linear.scatter [tilespmem:s18], [sflag:$0x2], $0x2000, $0x38;
	[tilespmem:$0x16400] =	vst v63  }
0xbe: {  	s8 =	rddreg [dreg:$0x7];
	s5 =	sadd.s32 s29, s7  }
0xbf: {  	[hbm4b:s5+s3] =	stream.linear.scatter [tilespmem:s19], [sflag:$0x2], $0x2000, $0x38;
	[tilespmem:$0x16400] =	vst v63  }
0xc0: {  	s8 =	sadd.s32 s29, s8;
	s7 =	rddreg [dreg:$0x9]  }
0xc1: {  	[hbm4b:s8+s3] =	stream.linear.scatter [tilespmem:s21], [sflag:$0x2], $0x2000, $0x38;
	[tilespmem:$0x16400] =	vst v63  }
0xc2: {  	s8 =	sadd.s32 s29, s7  }
0xc3: {  	[hbm4b:s8+s3] =	stream.linear.scatter [tilespmem:s23], [sflag:$0x2], $0x2000, $0x38;
	[tilespmem:$0x16400] =	vst v63  }
0xc4: {  	_ =	swait.ge [sflag:s20], $0x2000  }
0xc5: {  	[sflag:s20] =	ssyncset.done $0x0  }
0xc6: {  	[sflag:s20] =	ssyncadd.s32 $0xFFFFE000  }
0xc7: {  	_ =	swait.ge [sflag:s20], $0x2000  }
0xc8: {  	[sflag:s20] =	ssyncset.done $0x0  }
0xc9: {  	[sflag:s20] =	ssyncadd.s32 $0xFFFFE000  }
0xca: {  	_ =	swait.ge [sflag:s20], $0x2000  }
0xcb: {  	[sflag:s20] =	ssyncset.done $0x0  }
0xcc: {  	[sflag:s20] =	ssyncadd.s32 $0xFFFFE000  }
0xcd: {  	_ =	swait.ge [sflag:s20], $0x2000  }
0xce: {  	[sflag:s20] =	ssyncset.done $0x0  }
0xcf: {  	s7 =	sadd.s32 $0x600, s31;
	[sflag:s20] =	ssyncadd.s32 $0xFFFFE000  }
0xd0: {  	[tilespmem:s25], [sflag:$0x1] =	stream.indirect.gather [hbm4b:s4+s17], $0x40, s7, s17, $0xb8;
	[tilespmem:$0x16400] =	vst v63  }
0xd1: {  	s8 =	sadd.s32 $0x680, s31  }
0xd2: {  	[tilespmem:s28], [sflag:$0x1] =	stream.indirect.gather [hbm4b:s4+s17], $0x40, s8, s17, $0xb8;
	[tilespmem:$0x16400] =	vst v63  }
0xd3: {  	s7 =	sadd.s32 $0x700, s31  }
0xd4: {  	[tilespmem:s30], [sflag:$0x1] =	stream.indirect.gather [hbm4b:s4+s17], $0x40, s7, s17, $0xb8;
	[tilespmem:$0x16400] =	vst v63  }
0xd5: {  	s8 =	sadd.s32 $0x780, s31  }
0xd6: {  	[tilespmem:s1], [sflag:$0x1] =	stream.indirect.gather [hbm4b:s4+s17], $0x40, s8, s17, $0xb8;
	[tilespmem:$0x16400] =	vst v63  }
0xd7: {  	_ =	swait.ge [sflag:s0], $0x2000  }
0xd8: {  	[sflag:s0] =	ssyncset.done $0x0  }
0xd9: {  	[sflag:s0] =	ssyncadd.s32 $0xFFFFE000  }
0xda: {  	_ =	swait.ge [sflag:s0], $0x2000  }
0xdb: {  	[sflag:s0] =	ssyncset.done $0x0  }
0xdc: {  	[sflag:s0] =	ssyncadd.s32 $0xFFFFE000  }
0xdd: {  	_ =	swait.ge [sflag:s0], $0x2000  }
0xde: {  	[sflag:s0] =	ssyncset.done $0x0  }
0xdf: {  	[sflag:s0] =	ssyncadd.s32 $0xFFFFE000  }
0xe0: {  	_ =	swait.ge [sflag:s0], $0x2000  }
0xe1: {  	p0 =	sne.s32 s24, $0x17000;
	s5 =	rddreg [dreg:$0x3];
	[sflag:s0] =	ssyncset.done $0x0  }
0xe2: {  	s7 =	rddreg [dreg:$0x5];
	[sflag:s0] =	ssyncadd.s32 $0xFFFFE000;
	s5 =	sadd.s32 s29, s5  }
0xe3: {  	[hbm4b:s5+s3] =	stream.linear.scatter [tilespmem:s25], [sflag:$0x2], $0x2000, $0x38;
	[tilespmem:$0x16400] =	vst v63  }
.Ltmp0:
0xe4: {  	s24 =	sadd.s32 $0x1000, s24;
	s8 =	rddreg [dreg:$0x4];
	(pc) =	sbr.rel @p0 .LBB2_2-.Ltmp0, $4  }
0xe5: {  	s26 =	sadd.s32 $0x10000, s26;
	s31 =	rddreg [dreg:$0x6];
	s7 =	sadd.s32 s29, s7  }
0xe6: {  	[hbm4b:s7+s3] =	stream.linear.scatter [tilespmem:s28], [sflag:$0x2], $0x2000, $0x38;
	[tilespmem:$0x16400] =	vst v63  }
0xe7: {  	s8 =	sadd.s32 s29, s8;
	s31 =	sadd.s32 s29, s31;
	s29 =	sadd.s32 $0x2000, s29  }
0xe8: {  	[hbm4b:s8+s3] =	stream.linear.scatter [tilespmem:s30], [sflag:$0x2], $0x2000, $0x38;
	[tilespmem:$0x16400] =	vst v63  }
0xe9: {  	[hbm4b:s31+s3] =	stream.linear.scatter [tilespmem:s1], [sflag:$0x2], $0x2000, $0x38;
	[tilespmem:$0x16400] =	vst v63  }
0xea: {  	_ =	swait.ge [sflag:s20], $0x2000  }
0xeb: {  	[sflag:s20] =	ssyncset.done $0x0  }
0xec: {  	[sflag:s20] =	ssyncadd.s32 $0xFFFFE000  }
0xed: {  	_ =	swait.ge [sflag:s20], $0x2000  }
0xee: {  	[sflag:s20] =	ssyncset.done $0x0  }
0xef: {  	[sflag:s20] =	ssyncadd.s32 $0xFFFFE000  }
0xf0: {  	_ =	swait.ge [sflag:s20], $0x2000  }
0xf1: {  	[sflag:s20] =	ssyncset.done $0x0  }
0xf2: {  	[sflag:s20] =	ssyncadd.s32 $0xFFFFE000  }
0xf3: {  	_ =	swait.ge [sflag:s20], $0x2000  }
0xf4: {  	[sflag:s20] =	ssyncset.done $0x0  }
0xf5: {  	[sflag:s20] =	ssyncadd.s32 $0xFFFFE000  }
0xf6: {  	_ =	swait.ge [sflag:s20], $0x2000  }
0xf7: {  	[sflag:s20] =	ssyncset.done $0x0  }
0xf8: {  	[sflag:s20] =	ssyncadd.s32 $0xFFFFE000  }
0xf9: {  	_ =	swait.ge [sflag:s20], $0x2000  }
0xfa: {  	[sflag:s20] =	ssyncset.done $0x0  }
0xfb: {  	s22 =	sadd.s32 $0x1, s22;
	[sflag:s20] =	ssyncadd.s32 $0xFFFFE000  }
0xfc: {  	p0 =	sne.s32 s22, s14;
	_ =	swait.ge [sflag:s20], $0x2000  }
.Ltmp1:
0xfd: {  	[sflag:s20] =	ssyncset.done $0x0;
	(pc) =	sbr.rel @p0 .LBB2_1-.Ltmp1, $4  }
0xfe: {  	[sflag:s20] =	ssyncadd.s32 $0xFFFFE000  }
0xff: {  	_ =	swait.ge [sflag:s20], $0x2000  }
0x100: {  	[sflag:s20] =	ssyncset.done $0x0  }
0x101: {  	[sflag:s20] =	ssyncadd.s32 $0xFFFFE000  }
0x102: {  	_ =	sfence.sel $0x180000  }
0x103: {  	[bflag:$0x0] =	sbarrier.arrive $0xFFFF  }
0x104: {  	_ =	strace $0x90000047  }
0x105: {  	s0 =	stileid.u32;
	[bflag:$0x2] =	sbarrier.arrive $0xFFFF  }
0x106: {  	p0 =	sne.s32 s0, $0x0;
	s0 =	rddreg [dreg:$0x2]  }
0x107: {  	s0 =	sadd.s32 @!p0 $0x100000, s0  }
0x108: {  	[sflag:s0] =	ssyncadd.tile.s32 @!p0 $0x1;
	_ =	shalt  }
.Lfunc_end2:
_tile_overlayer_lowered:
.L_overlay_start_2:
0x109: {  	(tag) =	ssettag $0x2  }
0x10a: {  	s0 =	rddreg [dreg:$0x0];
	s2 =	stileid.u32  }
0x10b: {  	s1 =	rddreg [dreg:$0x1];
	p0 =	sne.s32 s2, $0x0  }
0x10c: {  	s3 =	rddreg [dreg:$0x2];
	[bflag:$0x3] =	sbarrier.arrive $0xFFFF;
	s2 =	simm.s32 @!p0 $0x1C03  }
0x10d: {  	[timem:s3], [sflag:s2] =	dma.local @!p0 [hbm:s0], s1  }
0x10e: {  	s0 =	simm.s32 @!p0 $0x3  }
0x10f: {  	_ =	swait.ge @!p0 [sflag:s0], s1  }
0x110: {  	s1 =	ssub.s32 @!p0 $0x0, s1;
	[sflag:s0] =	ssyncset.done @!p0 $0x0  }
0x111: {  	[sflag:s0] =	ssyncadd.s32 @!p0 s1  }
0x112: {  	[bflag:$0x3] =	sbarrier.arrive $0xFFFF  }
0x113: {  	_ =	shalt  }

// kernel: sparse-core-data-format-call.cloned.1.call-start
scs
called_computation_lowered:
.L_overlay_start_0:
0x0: {  	s2 =	sld [smem:$0x3FD9]  }
0x1: {  	s3 =	sld [smem:$0x3FFE];
	_ =	sdelay $0x1  }
0x2: {  	s1 =	srdreg.scid  }
0x3: {  	s0 =	sand.u32 $0x1, s1  }
0x4: {  	s18 =	sshll.u32 s0, $0xA;
	s2 =	sadd.s32 s3, s2  }
0x5: {  	s2 =	sadd.s32 s2, s18  }
0x6: {  	[smem:$0x3FC6] =	sst s2  }
0x7: {  	_ = 	snop  }
0x8: {  	s2 =	sld [smem:$0x3FD0];
	(tm) =	ssettm $0x1  }
0x9: {  	s19 =	sld [smem:$0x3FFB];
	_ =	sdelay $0x3  }
0xa: {  	_ =	strace s19  }
0xb: {  	s3 =	sld [smem:$0x3FFC];
	_ =	sdelay $0x3  }
0xc: {  	_ =	strace s3  }
0xd: {  	s3 =	sld [smem:$0x3FFD];
	_ =	sdelay $0x3  }
0xe: {  	_ =	strace s3  }
0xf: {  	_ =	strace $0x8FFFFFFF  }
0x10: {  	s20 =	sld [smem:$0x3FDB];
	_ =	sdelay $0x1  }
0x11: {  	s4 =	simm.s32 $_scs_section_size  }
0x12: {  	s5 =	simm.s32 $_size__tile_overlayer_lowered;
	s6 =	simm.s32 $_tile_overlayer_lowered  }
0x13: {  	s23 =	simm.s32 $0x1BFF;
	s22 =	sshll.u32 s6, $0x1;
	s3 =	sadd.s32 s4, s20  }
0x14: {  	s7 =	simm.s32 $0x0;
	s21 =	sshll.u32 s5, $0x1;
	s5 =	sadd.s32 s22, s3  }
0x15: {  	[timem:s7], [sflag:s23] =	dma.local [hbm:s5], s21  }
0x16: {  	_ =	swait.ge [sflag:s23], s21  }
0x17: {  	s4 =	ssub.s32 $0x0, s21;
	[sflag:s23] =	ssyncset.done $0x0  }
0x18: {  	[sflag:s23] =	ssyncadd.s32 s4;
	_ =	sdelay $0x1  }
0x19: {  	s24 =	simm.s32 $0x1B8B  }
0x1a: {  	_ =	swait.ge [sflag:s24], $0x1  }
0x1b: {  	[sflag:s24] =	ssyncset.done $0x0  }
0x1c: {  	s26 =	simm.s32 $0x1B8E;
	s25 =	sld [smem:$0x3FFE];
	[sflag:s24] =	ssyncadd.s32 $0xFFFFFFFF  }
0x1d: {  	s27 =	simm.s32 $execute0_lowered;
	[smem:$0x3FD2] =	sst s26  }
0x1e: {  	s5 =	sshll.u32 s27, $0x1;
	_ =	strace $0x80000049;
	[dreg:$0x1] =	wrdreg $0xFFFFFFFF  }
0x1f: {  	s28 =	simm.s32 $_size_execute0_lowered;
	s3 =	sadd.s32 s3, s5;
	[dreg:$0x0] =	wrdreg $0x0  }
0x20: {  	s5 =	sshll.u32 s28, $0x1;
	[dreg:$0x2] =	wrdreg s3  }
0x21: {  	[dreg:$0x3] =	wrdreg s5  }
0x22: {  	[dreg:$0x4] =	wrdreg $0xC0  }
0x23: {  	_ =	task [dreg:s7], $0x5FFFF  }
0x24: {  	[dreg:$0x1] =	wrdreg $0xFFFFFFFF  }
0x25: {  	[dreg:$0x0] =	wrdreg $0x60  }
0x26: {  	[dreg:$0x2] =	wrdreg s25  }
0x27: {  	[dreg:$0x3] =	wrdreg s2  }
0x28: {  	[dreg:$0x4] =	wrdreg $0x9  }
0x29: {  	_ =	task.clear_ibuf [dreg:s7], $0x5FFFF;
	_ =	strace $0x90000049  }
0x2a: {  	s29 =	simm.s32 $0x9;
	_ =	strace $0x8000004B  }
0x2b: {  	_ =	swait.ge [sflag:s29], $0x1  }
0x2c: {  	[sflag:s29] =	ssyncadd.s32 $0xFFFFFFFF  }
0x2d: {  	_ =	strace $0x9000004B  }
0x2e: {  	_ =	sfence  }
0x2f: {  	s30 =	sld [smem:$0x0];
	_ =	sdelay $0x2  }
0x30: {  	s31 =	sshll.u32 s1, $0xD;
	s1 =	sshrl.u32 s1, $0x2  }
0x31: {  	s3 =	sand.u32 $0x4000, s31;
	s1 =	sadd.s32 s1, s30  }
0x32: {  	s0 =	sor.u32 s3, s0;
	s1 =	sshll.u32 s1, $0x11  }
0x33: {  	s0 =	sor.u32 s1, s0  }
0x34: {  	s0 =	sadd.s32 $0x8F2B, s0  }
0x35: {  	[sflag:s0] =	ssyncadd.remote.s32 $0x1  }
0x36: {  	_ =	sfence.sel $0xFFFF  }
0x37: {  	[dreg:$0x0] =	wrdreg $0xFFFFFFFF;
	(pc) =	sbr.abs _section_cstart, $3  }
0x38: {  	[dreg:$0x1] =	wrdreg $0xFFFFFFFF  }
0x39: {  	_ =	task.clear_ibuf [dreg:s7], $0x2FFFF;
	_ =	strace $0x9FFFFFFF  }
0x3a: {  	(tm) =	ssettm $0x7FFFFFFF  }
0x3b: {  	_ =	shalt  }
tec
execute0_lowered:
.L_overlay_start_1:
0x0: {  	(tag) =	ssettag $0x1  }
0x1: {  	s0 =	srdreg.scid  }
0x2: {  	s1 =	sshll.u32 s0, $0x4  }
0x3: {  	s0 =	stileid.u32;
	s1 =	sand.u32 $0x10, s1  }
0x4: {  	s1 =	sor.u32 s0, s1  }
0x5: {  	s6 =	rddreg [dreg:$0x0];
	s4 =	simm.s32 $0x1;
	s2 =	sshll.u32 s1, $0x7  }
0x6: {  	s7 =	simm.s32 $0x2;
	s12 =	simm.s32 $0x0;
	s1 =	ssub.s32 $0x1000, s2  }
0x7: {  	s8 =	simm.s32 $0x8000;
	s13 =	simm.s32 $0x0;
	s3 =	sand.u32 $0xF80, s1  }
0x8: {  	s9 =	simm.s32 $0x0;
	s5 =	sshrl.u32 s1, $0xC;
	p0 =	sne.s32 s3, $0x0  }
.Ltmp0:
0x9: {  	s1 =	rddreg [dreg:$0x2];
	s4 =	simm.s32 @!p0 $0x0;
	(pc) =	sbr.rel .LBB1_1-.Ltmp0, $4  }
0xa: {  	s11 =	simm.s32 $0x0;
	s3 =	rddreg [dreg:$0x1];
	s5 =	sadd.s32 s4, s5  }
0xb: {  	_ =	strace $0x8000004A;
	s4 =	simm.s32 $0x1;
	s5 =	smul.u32 $0xC8, s5  }
0xc: {  	s6 =	sadd.s32 $0xA00, s6;
	s10 =	smov.u32 s2;
	[sflag:s4] =	ssyncpa.u1 $0x0  }
0xd: {  	p0 =	por $0x0, $0x0;
	[sflag:s7] =	ssyncpa.u1 $0x0;
	s7 =	sor.u32 $0x1, s5  }
.LBB1_4:
0xe: {  	s16 =	sshll.u32 s13, $0x3;
	s17 =	sand.u32 $0x78, s13  }
0xf: {  	s30 =	sand.u32 $0x7E00, s13;
	s12 =	sshll.u32 s12, $0xF;
	s16 =	sand.u32 $0xC00, s16  }
0x10: {  	[tilespmem:s15+$0x810 ss:$0x81] =	vst.msk $0xffff, v2;
	s31 =	sand.u32 $0x7, s13;
	s16 =	sor.u32 s17, s16;
	s17 =	sadd.s32 s3, s30  }
0x11: {  	[tilespmem:s15+$0x1020 ss:$0x81] =	vst.msk $0xffff, v0;
	s13 =	sshll.u32 s31, $0x12;
	s12 =	sadd.s32 s12, s17;
	s16 =	sshrl.u32 s16, $0x3  }
0x12: {  	[tilespmem:s15+$0x0 ss:$0x81] =	vst.msk $0xffff, v1;
	s13 =	sor.u32 $0x400, s13;
	s12 =	sadd.s32 s16, s12  }
0x13: {  	[hbm4b:s12+s13] =	stream.strided.scatter [tilespmem:s14], [sflag:$0x2], $0x2000, s8, s13, $0x20;
	[tilespmem:$0x8080] =	vst v63  }
.LBB1_5:
0x14: {  	s14 =	sadd.s32 $0x1, s9  }
0x15: {  	s12 =	sadd.s32 $0x1000, s10;
	s16 =	smov.u32 s10;
	p2 =	sgt.s32 s14, $0xC7  }
0x16: {  	s16 =	smov.u32 @p2 s12  }
0x17: {  	s14 =	simm.s32 @p2 $0x0;
	p2 =	sgt.s32 s16, $0xFFF  }
0x18: {  	s16 =	smov.u32 @p2 s2;
	p2 =	sne.s32 s11, s7  }
.Ltmp1:
0x19: {  	p1 =	slt.u32 s11, $0x2;
	(pc) =	sbr.rel @!p2 .LBB1_6-.Ltmp1, $4  }
0x1a: {  	s15 =	simm.s32 @!p1 $0x2  }
0x1b: {  	s13 =	smov.u32 s10;
	p0 =	por !p0, !p0;
	_ =	swait.ge @!p1 [sflag:s15], $0x2000  }
0x1c: {  	s12 =	smov.u32 s9;
	[sflag:s15] =	ssyncset.done @!p1 $0x0;
	s9 =	smov.u32 s14  }
0x1d: {  	s11 =	sadd.s32 $0x1, s11;
	[sflag:s15] =	ssyncadd.s32 @!p1 $0xFFFFE000;
	s10 =	smov.u32 s16  }
.LBB1_1:
0x1e: {  	p1 =	sge.u32 s11, s5  }
0x1f: {  	s14 =	sand.u32 @!p1 $0x1FFFFFF, s9  }
0x20: {  	s15 =	smulhi.u32 @!p1 $0x147AE15, s14;
	_ =	sdelay $0x1  }
0x21: {  	s15 =	smul.u32 @!p1 $0xC8, s15  }
0x22: {  	s16 =	sxor.u32 @!p1 $0xFFFFFFFF, s11;
	s17 =	smul.u32 @!p1 $0xC80, s10  }
0x23: {  	s31 =	sadd.s32 $0xFFFFFFFF, s11;
	s16 =	sshll.u32 @!p1 s16, $0xD;
	s14 =	ssub.s32 @!p1 s14, s15  }
0x24: {  	s15 =	sand.u32 @!p1 $0x2000, s16;
	s16 =	sadd.s32 @!p1 s6, s17;
	s14 =	sshll.u32 @!p1 s14, $0x4  }
0x25: {  	s17 =	simm.s32 @!p1 $0x6400;
	s14 =	sadd.s32 @!p1 s14, s16;
	s16 =	simm.s32 @!p1 $0x40  }
0x26: {  	[tilespmem:s15], [sflag:$0x1] =	stream.strided.gather @!p1 [hbm4b:s14+s16], $0x2000, s17, s16, $0x38;
	[tilespmem:$0x8080] =	vst v63  }
0x27: {  	p1 =	sge.u32 s31, s5  }
.Ltmp2:
0x28: {  	_ = 	snop;
	(pc) =	sbr.rel @p1 .LBB1_5-.Ltmp2, $1  }
0x29: {  	_ =	sdelay $0x3  }
0x2a: {  	s14 =	simm.s32 $0x1  }
0x2b: {  	_ =	swait.ge [sflag:s4], $0x2000;
	s14 =	simm.s32 @!p0 $0x0  }
0x2c: {  	[sflag:s4] =	ssyncset.done $0x0;
	s15 =	sshll.u32 s14, $0xD  }
0x2d: {  	[sflag:s4] =	ssyncadd.s32 $0xFFFFE000;
	s18 =	sor.u32 $0x20, s15  }
0x2e: {  	s14 =	smul.u32 $0x8100, s14;
	v3 =	vld [tilespmem:s18+$0x10]  }
0x2f: {  	s30 =	sand.u32 $0x1, s11;
	v2 =	vld [tilespmem:s18+$0xFFFFFFF0]  }
0x30: {  	s15 =	smul.u32 $0x8100, s30;
	s14 =	sshrl.u32 s14, $0x2;
	v0 =	vld [tilespmem:s18+$0x0]  }
0x31: {  	v1 =	vld [tilespmem:s18+$0xFFFFFFE0];
	s16 =	sor.u32 $0x4000, s14  }
0x32: {  	s31 =	sshrl.u32 s15, $0x2;
	s15 =	sadd.s32 $0x0, s16  }
0x33: {  	s17 =	simm.s32 $0x4;
	s18 =	sadd.s32 $0x40, s18;
	s14 =	sor.u32 $0x4000, s31;
	[tilespmem:s15+$0x1830 ss:$0x81] =	vst.msk $0xffff, v3  }
.LBB1_3:
0x34: {  	v3 =	vld [tilespmem:s18+$0x10];
	p1 =	sne.s32 s17, $0x1FC;
	[tilespmem:s15+$0x810 ss:$0x81] =	vst.msk $0xffff, v2;
	s19 =	smov.u32 s17;
	s17 =	sadd.s32 $0x4, s17  }
.Ltmp3:
0x35: {  	v2 =	vld [tilespmem:s18+$0xFFFFFFF0];
	[tilespmem:s15+$0x1020 ss:$0x81] =	vst.msk $0xffff, v0;
	(pc) =	sbr.rel @p1 .LBB1_3-.Ltmp3, $4  }
0x36: {  	v0 =	vld [tilespmem:s18+$0x0];
	[tilespmem:s15+$0x0 ss:$0x81] =	vst.msk $0xffff, v1  }
0x37: {  	s15 =	sshra.s32 s19, $0x2;
	v1 =	vld [tilespmem:s18+$0xFFFFFFE0]  }
0x38: {  	s15 =	sadd.s32 s15, s16  }
0x39: {  	s18 =	sadd.s32 $0x40, s18;
	[tilespmem:s15+$0x1830 ss:$0x81] =	vst.msk $0xffff, v3  }
.Ltmp4:
0x3a: {  	_ = 	snop;
	(pc) =	sbr.rel .LBB1_4-.Ltmp4, $1  }
0x3b: {  	_ =	sdelay $0x3  }
.LBB1_6:
0x3c: {  	_ =	sfence.sel $0x180000  }
0x3d: {  	s2 =	simm.s32 $0x1;
	[bflag:$0x0] =	sbarrier.arrive $0xFFFF  }
0x3e: {  	s31 =	simm.s32 $0x2;
	[sflag:s2] =	ssyncpa.u1 $0x1  }
0x3f: {  	[sflag:s31] =	ssyncpa.u1 $0x1  }
0x40: {  	p0 =	sne.s32 s0, $0x0;
	_ =	strace $0x9000004A  }
0x41: {  	s0 =	sadd.s32 @!p0 $0x100000, s1;
	[bflag:$0x2] =	sbarrier.arrive $0xFFFF  }
0x42: {  	[sflag:s0] =	ssyncadd.tile.s32 @!p0 $0x1;
	_ =	shalt  }
.Lfunc_end1:
_tile_overlayer_lowered:
.L_overlay_start_2:
0x43: {  	(tag) =	ssettag $0x2  }
0x44: {  	s0 =	rddreg [dreg:$0x0];
	s2 =	stileid.u32  }
0x45: {  	s1 =	rddreg [dreg:$0x1];
	p0 =	sne.s32 s2, $0x0  }
0x46: {  	s3 =	rddreg [dreg:$0x2];
	[bflag:$0x3] =	sbarrier.arrive $0xFFFF;
	s2 =	simm.s32 @!p0 $0x1C01  }
0x47: {  	[timem:s3], [sflag:s2] =	dma.local @!p0 [hbm:s0], s1  }
0x48: {  	s0 =	simm.s32 @!p0 $0x1  }
0x49: {  	_ =	swait.ge @!p0 [sflag:s0], s1  }
0x4a: {  	s1 =	ssub.s32 @!p0 $0x0, s1;
	[sflag:s0] =	ssyncset.done @!p0 $0x0  }
0x4b: {  	[sflag:s0] =	ssyncadd.s32 @!p0 s1  }
0x4c: {  	[bflag:$0x3] =	sbarrier.arrive $0xFFFF  }
0x4d: {  	_ =	shalt  }

</sc_bundles>
